<compile_context>
chip_gen: v7x
topology: tpu7x:2x2x1
jax: 0.10.2.dev20260603
libtpu: 0.0.44.dev20260713+nightly
codegen_flags: <defaults>
</compile_context>

<pallas_src>
import functools

import jax
import jax.numpy as jnp
from jax import lax
from jax.experimental import pallas as pl
from jax.experimental.pallas import tpu as pltpu
from jax.experimental.pallas import tpu_sc as plsc

_NC = 2
_NS = 16
_L = 16
_NT = _NC * _NS
_ILV = plsc.PackFormat.INTERLEAVED


@functools.lru_cache(maxsize=None)
def _build_sc(B, N, D):
    fpt = D // _NT
    bh = B // 2
    mesh = plsc.VectorSubcoreMesh(core_axis_name="c", subcore_axis_name="s")

    def body(u_hbm, i_hbm, wt_hbm, ht_hbm, part_hbm,
             row_v, plane_v, acc_v, idx_v):
        cid = lax.axis_index("c")
        sid = lax.axis_index("s")
        fbase = (cid * _NS + sid) * fpt

        def row_dma(table, k):
            pltpu.sync_copy(table.at[k, pl.ds(0, N)], row_v)

        for j in range(fpt):
            k = fbase + j

            row_dma(wt_hbm, k)
            for h in range(2):
                pltpu.sync_copy(u_hbm.at[pl.ds(h * bh, bh)], idx_v)

                def wstep(g, carry, _h=h):
                    ua = idx_v[pl.ds(g * 2 * _L, _L)]
                    ub = idx_v[pl.ds(g * 2 * _L + _L, _L)]
                    wa = plsc.load_gather(row_v, [ua])
                    wb = plsc.load_gather(row_v, [ub])
                    plane_v[pl.ds(_h * bh + g * 2 * _L, 2 * _L)] = (
                        plsc.pack(wa, wb, format=_ILV))
                    return carry

                lax.fori_loop(0, bh // (2 * _L), wstep, 0, unroll=4)

            row_dma(ht_hbm, k)
            for h in range(2):
                pltpu.sync_copy(i_hbm.at[pl.ds(h * bh, bh)], idx_v)

                def hstep(g, carry, _h=h, _j=j):
                    pos = _h * bh + g * 2 * _L
                    ia = idx_v[pl.ds(g * 2 * _L, _L)]
                    ib = idx_v[pl.ds(g * 2 * _L + _L, _L)]
                    ha = plsc.load_gather(row_v, [ia])
                    hb = plsc.load_gather(row_v, [ib])
                    wa, wb = plsc.unpack(plane_v[pl.ds(pos, 2 * _L)],
                                         format=_ILV)
                    pa = wa * ha
                    pb = wb * hb
                    if _j > 0:
                        aa, ab = plsc.unpack(acc_v[pl.ds(pos, 2 * _L)],
                                             format=_ILV)
                        pa = pa + aa
                        pb = pb + ab
                    acc_v[pl.ds(pos, 2 * _L)] = plsc.pack(pa, pb, format=_ILV)
                    return carry

                lax.fori_loop(0, bh // (2 * _L), hstep, 0, unroll=4)

        pid = cid * _NS + sid
        pltpu.sync_copy(acc_v, part_hbm.at[pl.ds(pid * B, B)])

    return pl.kernel(
        body,
        out_type=jax.ShapeDtypeStruct((_NT * B,), jnp.bfloat16),
        mesh=mesh,
        compiler_params=pltpu.CompilerParams(
            needs_layout_passes=False, use_tc_tiling_on_sc=True),
        scratch_types=[
            pltpu.VMEM((N,), jnp.float32),
            pltpu.VMEM((B,), jnp.bfloat16),
            pltpu.VMEM((B,), jnp.bfloat16),
            pltpu.VMEM((bh,), jnp.int32),
        ],
    )


def _tc_sum(part, B):
    def body(p_ref, o_ref):
        x = p_ref[...].reshape(_NT, B).astype(jnp.float32)
        o_ref[...] = jnp.sum(x, axis=0)

    return pl.pallas_call(
        body,
        out_shape=jax.ShapeDtypeStruct((B,), jnp.float32),
    )(part)


def _perm(v):
    return v.reshape(-1, _L, 2).transpose(0, 2, 1).reshape(-1)


def kernel(x, W, H):
    xi = x.astype(jnp.int32)
    fn = _build_sc(x.shape[0], W.shape[0], W.shape[1])
    part = fn(_perm(xi[:, 0]), _perm(xi[:, 1]), W.T, H.T)
    return _tc_sum(part, x.shape[0])

# --- scband reference (transcript-rebuilt; emitter-appended) ---
"""Pipeline reference for scband-mf-imp-77455440216513 (READ-ONLY COPY).

The authoritative reference and input builder live on the scoring server;
editing this copy changes nothing except your own understanding.
"""

import jax, jax.numpy as jnp
import numpy as np

NUM_USERS = 100000
NUM_ITEMS = 100000
EMBED_K = 64
BATCH = 16384

def setup_inputs(seed: int = 0) -> dict:
    key = jax.random.key(seed)
    k1, k2, k3 = jax.random.split(key, 3)
    x = jax.random.randint(k1, (BATCH, 2), 0, NUM_USERS, dtype=jnp.int64) if jax.config.jax_enable_x64 else jax.random.randint(k1, (BATCH, 2), 0, NUM_USERS, dtype=jnp.int32)
    W = jax.random.normal(k2, (NUM_USERS, EMBED_K), dtype=jnp.float32)
    H = jax.random.normal(k3, (NUM_ITEMS, EMBED_K), dtype=jnp.float32)
    return {"x": x, "W": W, "H": H}

def reference(x, W, H):
    user_idx = x[:, 0]
    item_idx = x[:, 1]
    U_emb = jnp.take(W, user_idx, axis=0)
    V_emb = jnp.take(H, item_idx, axis=0)
    out = jnp.sum(U_emb * V_emb, axis=1)
    return out

if __name__ == "__main__":
    import jax
    _d = setup_inputs()
    print(jax.jit(kernel)(*tuple(_d.values())))

</pallas_src>

<mosaic_0001>
#map = affine_map<(d0, d1) -> (0)>
#map1 = affine_map<(d0, d1) -> (0, 0)>
module attributes {stable_mosaic.version = 14 : i64} {
  func.func @body(%arg0: i32, %arg1: i32, %arg2: memref<16384xi32, #tpu.memory_space<hbm>>, %arg3: memref<16384xi32, #tpu.memory_space<hbm>>, %arg4: memref<64x100000xf32, #tpu.memory_space<hbm>>, %arg5: memref<64x100000xf32, #tpu.memory_space<hbm>>, %arg6: memref<524288xbf16, #tpu.memory_space<hbm>>, %arg7: memref<100000xf32, #tpu.memory_space<vmem>>, %arg8: memref<16384xbf16, #tpu.memory_space<vmem>>, %arg9: memref<16384xbf16, #tpu.memory_space<vmem>>, %arg10: memref<8192xi32, #tpu.memory_space<vmem>>) attributes {dimension_semantics = [#tpu.dimension_semantics<core_parallel>, #tpu.dimension_semantics<subcore_parallel>], iteration_bounds = array<i64: 2, 16>, scalar_prefetch = 0 : i64, scratch_operands = 4 : i64, tpu.core_type = #tpu.core_type<sc_vector_subcore>, window_params = [{transform_indices = #map}, {transform_indices = #map}, {transform_indices = #map1}, {transform_indices = #map1}, {transform_indices = #map}]} {
    %mul3A = arith.constant 16 : i32
    %mul3A_0 = arith.muli %arg0, %mul3A : i32
    %add3A = arith.addi %mul3A_0, %arg1 : i32
    %mul3A_1 = arith.constant 2 : i32
    %mul3A_2 = arith.muli %add3A, %mul3A_1 : i32
    %add3A_3 = arith.constant 0 : i32
    %add3A_4 = arith.addi %mul3A_2, %add3A_3 : i32
    "tpu.region"() ({
      %run_scoped3A = tpu.sem_alloc : memref<!tpu.dma_semaphore, #tpu.memory_space<semaphore_mem>>
      %dma_start3A = arith.constant 0 : i32
      %dma_start3A_59 = tpu.memref_slice %arg4[%add3A_4, %dma_start3A] : memref<64x100000xf32, #tpu.memory_space<hbm>> -> memref<1x100000xf32, #tpu.memory_space<hbm>>
      %dma_start3A_60 = tpu.memref_squeeze %dma_start3A_59 : memref<1x100000xf32, #tpu.memory_space<hbm>> -> memref<100000xf32, #tpu.memory_space<hbm>>
      %dma_start3A_61 = arith.constant 0 : i32
      %dma_start3A_62 = tpu.memref_slice %arg4[%add3A_4, %dma_start3A_61] : memref<64x100000xf32, #tpu.memory_space<hbm>> -> memref<1x100000xf32, #tpu.memory_space<hbm>>
      %dma_start3A_63 = tpu.memref_squeeze %dma_start3A_62 : memref<1x100000xf32, #tpu.memory_space<hbm>> -> memref<100000xf32, #tpu.memory_space<hbm>>
      tpu.enqueue_dma source(%dma_start3A_63 : memref<100000xf32, #tpu.memory_space<hbm>>) target(%arg7 : memref<100000xf32, #tpu.memory_space<vmem>>) target_semaphore(%run_scoped3A : memref<!tpu.dma_semaphore, #tpu.memory_space<semaphore_mem>>)
      %dma_wait3A = arith.constant 0 : i32
      %dma_wait3A_64 = tpu.memref_slice %arg4[%add3A_4, %dma_wait3A] : memref<64x100000xf32, #tpu.memory_space<hbm>> -> memref<1x100000xf32, #tpu.memory_space<hbm>>
      %dma_wait3A_65 = tpu.memref_squeeze %dma_wait3A_64 : memref<1x100000xf32, #tpu.memory_space<hbm>> -> memref<100000xf32, #tpu.memory_space<hbm>>
      %dma_wait3A_66 = arith.constant 0 : i32
      %dma_wait3A_67 = tpu.memref_slice %arg4[%add3A_4, %dma_wait3A_66] : memref<64x100000xf32, #tpu.memory_space<hbm>> -> memref<1x100000xf32, #tpu.memory_space<hbm>>
      %dma_wait3A_68 = tpu.memref_squeeze %dma_wait3A_67 : memref<1x100000xf32, #tpu.memory_space<hbm>> -> memref<100000xf32, #tpu.memory_space<hbm>>
      tpu.wait_dma2 semaphore(%run_scoped3A : memref<!tpu.dma_semaphore, #tpu.memory_space<semaphore_mem>>) src(%dma_wait3A_68 : memref<100000xf32, #tpu.memory_space<hbm>>) dst(%arg7 : memref<100000xf32, #tpu.memory_space<vmem>>)
      tpu.yield
    }) : () -> ()
    "tpu.region"() ({
      %run_scoped3A = tpu.sem_alloc : memref<!tpu.dma_semaphore, #tpu.memory_space<semaphore_mem>>
      %dma_start3A = arith.constant 0 : i32
      %dma_start3A_59 = tpu.memref_slice %arg2[%dma_start3A] : memref<16384xi32, #tpu.memory_space<hbm>> -> memref<8192xi32, #tpu.memory_space<hbm>>
      %dma_start3A_60 = arith.constant 0 : i32
      %dma_start3A_61 = tpu.memref_slice %arg2[%dma_start3A_60] : memref<16384xi32, #tpu.memory_space<hbm>> -> memref<8192xi32, #tpu.memory_space<hbm>>
      tpu.enqueue_dma source(%dma_start3A_61 : memref<8192xi32, #tpu.memory_space<hbm>>) target(%arg10 : memref<8192xi32, #tpu.memory_space<vmem>>) target_semaphore(%run_scoped3A : memref<!tpu.dma_semaphore, #tpu.memory_space<semaphore_mem>>)
      %dma_wait3A = arith.constant 0 : i32
      %dma_wait3A_62 = tpu.memref_slice %arg2[%dma_wait3A] : memref<16384xi32, #tpu.memory_space<hbm>> -> memref<8192xi32, #tpu.memory_space<hbm>>
      %dma_wait3A_63 = arith.constant 0 : i32
      %dma_wait3A_64 = tpu.memref_slice %arg2[%dma_wait3A_63] : memref<16384xi32, #tpu.memory_space<hbm>> -> memref<8192xi32, #tpu.memory_space<hbm>>
      tpu.wait_dma2 semaphore(%run_scoped3A : memref<!tpu.dma_semaphore, #tpu.memory_space<semaphore_mem>>) src(%dma_wait3A_64 : memref<8192xi32, #tpu.memory_space<hbm>>) dst(%arg10 : memref<8192xi32, #tpu.memory_space<vmem>>)
      tpu.yield
    }) : () -> ()
    %scan3A = arith.constant 0 : i32
    %scan3A_5 = arith.constant 0 : i32
    %scan3A_6 = arith.constant 256 : i32
    %scan3A_7 = arith.addi %scan3A_5, %scan3A_6 : i32
    %scan3A_8 = arith.constant 4 : i32
    scf.for %scan3A_59 = %scan3A_5 to %scan3A_7 step %scan3A_8  : i32 {
      %mul3A_60 = arith.constant 2 : i32
      %mul3A_61 = arith.muli %scan3A_59, %mul3A_60 : i32
      %mul3A_62 = arith.constant 16 : i32
      %mul3A_63 = arith.muli %mul3A_61, %mul3A_62 : i32
      %get3A = arith.index_cast %mul3A_63 : i32 to index
      %get3A_64 = tpu.vector_load %arg10[%get3A] {strides = array<i32>} : memref<8192xi32, #tpu.memory_space<vmem>>, vector<16xi32>,
      %mul3A_65 = arith.constant 2 : i32
      %mul3A_66 = arith.muli %scan3A_59, %mul3A_65 : i32
      %mul3A_67 = arith.constant 16 : i32
      %mul3A_68 = arith.muli %mul3A_66, %mul3A_67 : i32
      %add3A_69 = arith.constant 16 : i32
      %add3A_70 = arith.addi %mul3A_68, %add3A_69 : i32
      %get3A_71 = arith.index_cast %add3A_70 : i32 to index
      %get3A_72 = tpu.vector_load %arg10[%get3A_71] {strides = array<i32>} : memref<8192xi32, #tpu.memory_space<vmem>>, vector<16xi32>,
      %gather3A = tpu.vector_load_idx %arg7[%get3A_64] : memref<100000xf32, #tpu.memory_space<vmem>>[vector<16xi32>], vector<16xf32>,
      %gather3A_73 = tpu.vector_load_idx %arg7[%get3A_72] : memref<100000xf32, #tpu.memory_space<vmem>>[vector<16xi32>], vector<16xf32>,
      %pack3A = tpu.pack_subelements %gather3A, %gather3A_73 {pack_format = #tpu.pack_format<interleaved>, positions = array<i32: 0, 1>} : vector<16xf32>, vector<16xf32> -> vector<32xbf16>
      %mul3A_74 = arith.constant 2 : i32
      %mul3A_75 = arith.muli %scan3A_59, %mul3A_74 : i32
      %mul3A_76 = arith.constant 16 : i32
      %mul3A_77 = arith.muli %mul3A_75, %mul3A_76 : i32
      %add3A_78 = arith.constant 0 : i32
      %add3A_79 = arith.addi %add3A_78, %mul3A_77 : i32
      %swap3A = arith.index_cast %add3A_79 : i32 to index
      %swap3A_80 = tpu.vector_load %arg8[%swap3A] {strides = array<i32>} : memref<16384xbf16, #tpu.memory_space<vmem>>, vector<32xbf16>,
      tpu.vector_store %arg8[%swap3A], %pack3A {strides = array<i32>} : memref<16384xbf16, #tpu.memory_space<vmem>>, vector<32xbf16>,
      %scan3A_81 = arith.constant 1 : i32
      %scan3A_82 = arith.addi %scan3A_59, %scan3A_81 : i32
      %mul3A_83 = arith.constant 2 : i32
      %mul3A_84 = arith.muli %scan3A_82, %mul3A_83 : i32
      %mul3A_85 = arith.constant 16 : i32
      %mul3A_86 = arith.muli %mul3A_84, %mul3A_85 : i32
      %get3A_87 = arith.index_cast %mul3A_86 : i32 to index
      %get3A_88 = tpu.vector_load %arg10[%get3A_87] {strides = array<i32>} : memref<8192xi32, #tpu.memory_space<vmem>>, vector<16xi32>,
      %mul3A_89 = arith.constant 2 : i32
      %mul3A_90 = arith.muli %scan3A_82, %mul3A_89 : i32
      %mul3A_91 = arith.constant 16 : i32
      %mul3A_92 = arith.muli %mul3A_90, %mul3A_91 : i32
      %add3A_93 = arith.constant 16 : i32
      %add3A_94 = arith.addi %mul3A_92, %add3A_93 : i32
      %get3A_95 = arith.index_cast %add3A_94 : i32 to index
      %get3A_96 = tpu.vector_load %arg10[%get3A_95] {strides = array<i32>} : memref<8192xi32, #tpu.memory_space<vmem>>, vector<16xi32>,
      %gather3A_97 = tpu.vector_load_idx %arg7[%get3A_88] : memref<100000xf32, #tpu.memory_space<vmem>>[vector<16xi32>], vector<16xf32>,
      %gather3A_98 = tpu.vector_load_idx %arg7[%get3A_96] : memref<100000xf32, #tpu.memory_space<vmem>>[vector<16xi32>], vector<16xf32>,
      %pack3A_99 = tpu.pack_subelements %gather3A_97, %gather3A_98 {pack_format = #tpu.pack_format<interleaved>, positions = array<i32: 0, 1>} : vector<16xf32>, vector<16xf32> -> vector<32xbf16>
      %mul3A_100 = arith.constant 2 : i32
      %mul3A_101 = arith.muli %scan3A_82, %mul3A_100 : i32
      %mul3A_102 = arith.constant 16 : i32
      %mul3A_103 = arith.muli %mul3A_101, %mul3A_102 : i32
      %add3A_104 = arith.constant 0 : i32
      %add3A_105 = arith.addi %add3A_104, %mul3A_103 : i32
      %swap3A_106 = arith.index_cast %add3A_105 : i32 to index
      %swap3A_107 = tpu.vector_load %arg8[%swap3A_106] {strides = array<i32>} : memref<16384xbf16, #tpu.memory_space<vmem>>, vector<32xbf16>,
      tpu.vector_store %arg8[%swap3A_106], %pack3A_99 {strides = array<i32>} : memref<16384xbf16, #tpu.memory_space<vmem>>, vector<32xbf16>,
      %scan3A_108 = arith.constant 2 : i32
      %scan3A_109 = arith.addi %scan3A_59, %scan3A_108 : i32
      %mul3A_110 = arith.constant 2 : i32
      %mul3A_111 = arith.muli %scan3A_109, %mul3A_110 : i32
      %mul3A_112 = arith.constant 16 : i32
      %mul3A_113 = arith.muli %mul3A_111, %mul3A_112 : i32
      %get3A_114 = arith.index_cast %mul3A_113 : i32 to index
      %get3A_115 = tpu.vector_load %arg10[%get3A_114] {strides = array<i32>} : memref<8192xi32, #tpu.memory_space<vmem>>, vector<16xi32>,
      %mul3A_116 = arith.constant 2 : i32
      %mul3A_117 = arith.muli %scan3A_109, %mul3A_116 : i32
      %mul3A_118 = arith.constant 16 : i32
      %mul3A_119 = arith.muli %mul3A_117, %mul3A_118 : i32
      %add3A_120 = arith.constant 16 : i32
      %add3A_121 = arith.addi %mul3A_119, %add3A_120 : i32
      %get3A_122 = arith.index_cast %add3A_121 : i32 to index
      %get3A_123 = tpu.vector_load %arg10[%get3A_122] {strides = array<i32>} : memref<8192xi32, #tpu.memory_space<vmem>>, vector<16xi32>,
      %gather3A_124 = tpu.vector_load_idx %arg7[%get3A_115] : memref<100000xf32, #tpu.memory_space<vmem>>[vector<16xi32>], vector<16xf32>,
      %gather3A_125 = tpu.vector_load_idx %arg7[%get3A_123] : memref<100000xf32, #tpu.memory_space<vmem>>[vector<16xi32>], vector<16xf32>,
      %pack3A_126 = tpu.pack_subelements %gather3A_124, %gather3A_125 {pack_format = #tpu.pack_format<interleaved>, positions = array<i32: 0, 1>} : vector<16xf32>, vector<16xf32> -> vector<32xbf16>
      %mul3A_127 = arith.constant 2 : i32
      %mul3A_128 = arith.muli %scan3A_109, %mul3A_127 : i32
      %mul3A_129 = arith.constant 16 : i32
      %mul3A_130 = arith.muli %mul3A_128, %mul3A_129 : i32
      %add3A_131 = arith.constant 0 : i32
      %add3A_132 = arith.addi %add3A_131, %mul3A_130 : i32
      %swap3A_133 = arith.index_cast %add3A_132 : i32 to index
      %swap3A_134 = tpu.vector_load %arg8[%swap3A_133] {strides = array<i32>} : memref<16384xbf16, #tpu.memory_space<vmem>>, vector<32xbf16>,
      tpu.vector_store %arg8[%swap3A_133], %pack3A_126 {strides = array<i32>} : memref<16384xbf16, #tpu.memory_space<vmem>>, vector<32xbf16>,
      %scan3A_135 = arith.constant 3 : i32
      %scan3A_136 = arith.addi %scan3A_59, %scan3A_135 : i32
      %mul3A_137 = arith.constant 2 : i32
      %mul3A_138 = arith.muli %scan3A_136, %mul3A_137 : i32
      %mul3A_139 = arith.constant 16 : i32
      %mul3A_140 = arith.muli %mul3A_138, %mul3A_139 : i32
      %get3A_141 = arith.index_cast %mul3A_140 : i32 to index
      %get3A_142 = tpu.vector_load %arg10[%get3A_141] {strides = array<i32>} : memref<8192xi32, #tpu.memory_space<vmem>>, vector<16xi32>,
      %mul3A_143 = arith.constant 2 : i32
      %mul3A_144 = arith.muli %scan3A_136, %mul3A_143 : i32
      %mul3A_145 = arith.constant 16 : i32
      %mul3A_146 = arith.muli %mul3A_144, %mul3A_145 : i32
      %add3A_147 = arith.constant 16 : i32
      %add3A_148 = arith.addi %mul3A_146, %add3A_147 : i32
      %get3A_149 = arith.index_cast %add3A_148 : i32 to index
      %get3A_150 = tpu.vector_load %arg10[%get3A_149] {strides = array<i32>} : memref<8192xi32, #tpu.memory_space<vmem>>, vector<16xi32>,
      %gather3A_151 = tpu.vector_load_idx %arg7[%get3A_142] : memref<100000xf32, #tpu.memory_space<vmem>>[vector<16xi32>], vector<16xf32>,
      %gather3A_152 = tpu.vector_load_idx %arg7[%get3A_150] : memref<100000xf32, #tpu.memory_space<vmem>>[vector<16xi32>], vector<16xf32>,
      %pack3A_153 = tpu.pack_subelements %gather3A_151, %gather3A_152 {pack_format = #tpu.pack_format<interleaved>, positions = array<i32: 0, 1>} : vector<16xf32>, vector<16xf32> -> vector<32xbf16>
      %mul3A_154 = arith.constant 2 : i32
      %mul3A_155 = arith.muli %scan3A_136, %mul3A_154 : i32
      %mul3A_156 = arith.constant 16 : i32
      %mul3A_157 = arith.muli %mul3A_155, %mul3A_156 : i32
      %add3A_158 = arith.constant 0 : i32
      %add3A_159 = arith.addi %add3A_158, %mul3A_157 : i32
      %swap3A_160 = arith.index_cast %add3A_159 : i32 to index
      %swap3A_161 = tpu.vector_load %arg8[%swap3A_160] {strides = array<i32>} : memref<16384xbf16, #tpu.memory_space<vmem>>, vector<32xbf16>,
      tpu.vector_store %arg8[%swap3A_160], %pack3A_153 {strides = array<i32>} : memref<16384xbf16, #tpu.memory_space<vmem>>, vector<32xbf16>,
    }
    %scan3A_9 = arith.constant 256 : i32
    "tpu.region"() ({
      %run_scoped3A = tpu.sem_alloc : memref<!tpu.dma_semaphore, #tpu.memory_space<semaphore_mem>>
      %dma_start3A = arith.constant 8192 : i32
      %dma_start3A_59 = tpu.memref_slice %arg2[%dma_start3A] : memref<16384xi32, #tpu.memory_space<hbm>> -> memref<8192xi32, #tpu.memory_space<hbm>>
      %dma_start3A_60 = arith.constant 8192 : i32
      %dma_start3A_61 = tpu.memref_slice %arg2[%dma_start3A_60] : memref<16384xi32, #tpu.memory_space<hbm>> -> memref<8192xi32, #tpu.memory_space<hbm>>
      tpu.enqueue_dma source(%dma_start3A_61 : memref<8192xi32, #tpu.memory_space<hbm>>) target(%arg10 : memref<8192xi32, #tpu.memory_space<vmem>>) target_semaphore(%run_scoped3A : memref<!tpu.dma_semaphore, #tpu.memory_space<semaphore_mem>>)
      %dma_wait3A = arith.constant 8192 : i32
      %dma_wait3A_62 = tpu.memref_slice %arg2[%dma_wait3A] : memref<16384xi32, #tpu.memory_space<hbm>> -> memref<8192xi32, #tpu.memory_space<hbm>>
      %dma_wait3A_63 = arith.constant 8192 : i32
      %dma_wait3A_64 = tpu.memref_slice %arg2[%dma_wait3A_63] : memref<16384xi32, #tpu.memory_space<hbm>> -> memref<8192xi32, #tpu.memory_space<hbm>>
      tpu.wait_dma2 semaphore(%run_scoped3A : memref<!tpu.dma_semaphore, #tpu.memory_space<semaphore_mem>>) src(%dma_wait3A_64 : memref<8192xi32, #tpu.memory_space<hbm>>) dst(%arg10 : memref<8192xi32, #tpu.memory_space<vmem>>)
      tpu.yield
    }) : () -> ()
    %scan3A_10 = arith.constant 0 : i32
    %scan3A_11 = arith.constant 0 : i32
    %scan3A_12 = arith.constant 256 : i32
    %scan3A_13 = arith.addi %scan3A_11, %scan3A_12 : i32
    %scan3A_14 = arith.constant 4 : i32
    scf.for %scan3A_59 = %scan3A_11 to %scan3A_13 step %scan3A_14  : i32 {
      %mul3A_60 = arith.constant 2 : i32
      %mul3A_61 = arith.muli %scan3A_59, %mul3A_60 : i32
      %mul3A_62 = arith.constant 16 : i32
      %mul3A_63 = arith.muli %mul3A_61, %mul3A_62 : i32
      %get3A = arith.index_cast %mul3A_63 : i32 to index
      %get3A_64 = tpu.vector_load %arg10[%get3A] {strides = array<i32>} : memref<8192xi32, #tpu.memory_space<vmem>>, vector<16xi32>,
      %mul3A_65 = arith.constant 2 : i32
      %mul3A_66 = arith.muli %scan3A_59, %mul3A_65 : i32
      %mul3A_67 = arith.constant 16 : i32
      %mul3A_68 = arith.muli %mul3A_66, %mul3A_67 : i32
      %add3A_69 = arith.constant 16 : i32
      %add3A_70 = arith.addi %mul3A_68, %add3A_69 : i32
      %get3A_71 = arith.index_cast %add3A_70 : i32 to index
      %get3A_72 = tpu.vector_load %arg10[%get3A_71] {strides = array<i32>} : memref<8192xi32, #tpu.memory_space<vmem>>, vector<16xi32>,
      %gather3A = tpu.vector_load_idx %arg7[%get3A_64] : memref<100000xf32, #tpu.memory_space<vmem>>[vector<16xi32>], vector<16xf32>,
      %gather3A_73 = tpu.vector_load_idx %arg7[%get3A_72] : memref<100000xf32, #tpu.memory_space<vmem>>[vector<16xi32>], vector<16xf32>,
      %pack3A = tpu.pack_subelements %gather3A, %gather3A_73 {pack_format = #tpu.pack_format<interleaved>, positions = array<i32: 0, 1>} : vector<16xf32>, vector<16xf32> -> vector<32xbf16>
      %mul3A_74 = arith.constant 2 : i32
      %mul3A_75 = arith.muli %scan3A_59, %mul3A_74 : i32
      %mul3A_76 = arith.constant 16 : i32
      %mul3A_77 = arith.muli %mul3A_75, %mul3A_76 : i32
      %add3A_78 = arith.constant 8192 : i32
      %add3A_79 = arith.addi %add3A_78, %mul3A_77 : i32
      %swap3A = arith.index_cast %add3A_79 : i32 to index
      %swap3A_80 = tpu.vector_load %arg8[%swap3A] {strides = array<i32>} : memref<16384xbf16, #tpu.memory_space<vmem>>, vector<32xbf16>,
      tpu.vector_store %arg8[%swap3A], %pack3A {strides = array<i32>} : memref<16384xbf16, #tpu.memory_space<vmem>>, vector<32xbf16>,
      %scan3A_81 = arith.constant 1 : i32
      %scan3A_82 = arith.addi %scan3A_59, %scan3A_81 : i32
      %mul3A_83 = arith.constant 2 : i32
      %mul3A_84 = arith.muli %scan3A_82, %mul3A_83 : i32
      %mul3A_85 = arith.constant 16 : i32
      %mul3A_86 = arith.muli %mul3A_84, %mul3A_85 : i32
      %get3A_87 = arith.index_cast %mul3A_86 : i32 to index
      %get3A_88 = tpu.vector_load %arg10[%get3A_87] {strides = array<i32>} : memref<8192xi32, #tpu.memory_space<vmem>>, vector<16xi32>,
      %mul3A_89 = arith.constant 2 : i32
      %mul3A_90 = arith.muli %scan3A_82, %mul3A_89 : i32
      %mul3A_91 = arith.constant 16 : i32
      %mul3A_92 = arith.muli %mul3A_90, %mul3A_91 : i32
      %add3A_93 = arith.constant 16 : i32
      %add3A_94 = arith.addi %mul3A_92, %add3A_93 : i32
      %get3A_95 = arith.index_cast %add3A_94 : i32 to index
      %get3A_96 = tpu.vector_load %arg10[%get3A_95] {strides = array<i32>} : memref<8192xi32, #tpu.memory_space<vmem>>, vector<16xi32>,
      %gather3A_97 = tpu.vector_load_idx %arg7[%get3A_88] : memref<100000xf32, #tpu.memory_space<vmem>>[vector<16xi32>], vector<16xf32>,
      %gather3A_98 = tpu.vector_load_idx %arg7[%get3A_96] : memref<100000xf32, #tpu.memory_space<vmem>>[vector<16xi32>], vector<16xf32>,
      %pack3A_99 = tpu.pack_subelements %gather3A_97, %gather3A_98 {pack_format = #tpu.pack_format<interleaved>, positions = array<i32: 0, 1>} : vector<16xf32>, vector<16xf32> -> vector<32xbf16>
      %mul3A_100 = arith.constant 2 : i32
      %mul3A_101 = arith.muli %scan3A_82, %mul3A_100 : i32
      %mul3A_102 = arith.constant 16 : i32
      %mul3A_103 = arith.muli %mul3A_101, %mul3A_102 : i32
      %add3A_104 = arith.constant 8192 : i32
      %add3A_105 = arith.addi %add3A_104, %mul3A_103 : i32
      %swap3A_106 = arith.index_cast %add3A_105 : i32 to index
      %swap3A_107 = tpu.vector_load %arg8[%swap3A_106] {strides = array<i32>} : memref<16384xbf16, #tpu.memory_space<vmem>>, vector<32xbf16>,
      tpu.vector_store %arg8[%swap3A_106], %pack3A_99 {strides = array<i32>} : memref<16384xbf16, #tpu.memory_space<vmem>>, vector<32xbf16>,
      %scan3A_108 = arith.constant 2 : i32
      %scan3A_109 = arith.addi %scan3A_59, %scan3A_108 : i32
      %mul3A_110 = arith.constant 2 : i32
      %mul3A_111 = arith.muli %scan3A_109, %mul3A_110 : i32
      %mul3A_112 = arith.constant 16 : i32
      %mul3A_113 = arith.muli %mul3A_111, %mul3A_112 : i32
      %get3A_114 = arith.index_cast %mul3A_113 : i32 to index
      %get3A_115 = tpu.vector_load %arg10[%get3A_114] {strides = array<i32>} : memref<8192xi32, #tpu.memory_space<vmem>>, vector<16xi32>,
      %mul3A_116 = arith.constant 2 : i32
      %mul3A_117 = arith.muli %scan3A_109, %mul3A_116 : i32
      %mul3A_118 = arith.constant 16 : i32
      %mul3A_119 = arith.muli %mul3A_117, %mul3A_118 : i32
      %add3A_120 = arith.constant 16 : i32
      %add3A_121 = arith.addi %mul3A_119, %add3A_120 : i32
      %get3A_122 = arith.index_cast %add3A_121 : i32 to index
      %get3A_123 = tpu.vector_load %arg10[%get3A_122] {strides = array<i32>} : memref<8192xi32, #tpu.memory_space<vmem>>, vector<16xi32>,
      %gather3A_124 = tpu.vector_load_idx %arg7[%get3A_115] : memref<100000xf32, #tpu.memory_space<vmem>>[vector<16xi32>], vector<16xf32>,
      %gather3A_125 = tpu.vector_load_idx %arg7[%get3A_123] : memref<100000xf32, #tpu.memory_space<vmem>>[vector<16xi32>], vector<16xf32>,
      %pack3A_126 = tpu.pack_subelements %gather3A_124, %gather3A_125 {pack_format = #tpu.pack_format<interleaved>, positions = array<i32: 0, 1>} : vector<16xf32>, vector<16xf32> -> vector<32xbf16>
      %mul3A_127 = arith.constant 2 : i32
      %mul3A_128 = arith.muli %scan3A_109, %mul3A_127 : i32
      %mul3A_129 = arith.constant 16 : i32
      %mul3A_130 = arith.muli %mul3A_128, %mul3A_129 : i32
      %add3A_131 = arith.constant 8192 : i32
      %add3A_132 = arith.addi %add3A_131, %mul3A_130 : i32
      %swap3A_133 = arith.index_cast %add3A_132 : i32 to index
      %swap3A_134 = tpu.vector_load %arg8[%swap3A_133] {strides = array<i32>} : memref<16384xbf16, #tpu.memory_space<vmem>>, vector<32xbf16>,
      tpu.vector_store %arg8[%swap3A_133], %pack3A_126 {strides = array<i32>} : memref<16384xbf16, #tpu.memory_space<vmem>>, vector<32xbf16>,
      %scan3A_135 = arith.constant 3 : i32
      %scan3A_136 = arith.addi %scan3A_59, %scan3A_135 : i32
      %mul3A_137 = arith.constant 2 : i32
      %mul3A_138 = arith.muli %scan3A_136, %mul3A_137 : i32
      %mul3A_139 = arith.constant 16 : i32
      %mul3A_140 = arith.muli %mul3A_138, %mul3A_139 : i32
      %get3A_141 = arith.index_cast %mul3A_140 : i32 to index
      %get3A_142 = tpu.vector_load %arg10[%get3A_141] {strides = array<i32>} : memref<8192xi32, #tpu.memory_space<vmem>>, vector<16xi32>,
      %mul3A_143 = arith.constant 2 : i32
      %mul3A_144 = arith.muli %scan3A_136, %mul3A_143 : i32
      %mul3A_145 = arith.constant 16 : i32
      %mul3A_146 = arith.muli %mul3A_144, %mul3A_145 : i32
      %add3A_147 = arith.constant 16 : i32
      %add3A_148 = arith.addi %mul3A_146, %add3A_147 : i32
      %get3A_149 = arith.index_cast %add3A_148 : i32 to index
      %get3A_150 = tpu.vector_load %arg10[%get3A_149] {strides = array<i32>} : memref<8192xi32, #tpu.memory_space<vmem>>, vector<16xi32>,
      %gather3A_151 = tpu.vector_load_idx %arg7[%get3A_142] : memref<100000xf32, #tpu.memory_space<vmem>>[vector<16xi32>], vector<16xf32>,
      %gather3A_152 = tpu.vector_load_idx %arg7[%get3A_150] : memref<100000xf32, #tpu.memory_space<vmem>>[vector<16xi32>], vector<16xf32>,
      %pack3A_153 = tpu.pack_subelements %gather3A_151, %gather3A_152 {pack_format = #tpu.pack_format<interleaved>, positions = array<i32: 0, 1>} : vector<16xf32>, vector<16xf32> -> vector<32xbf16>
      %mul3A_154 = arith.constant 2 : i32
      %mul3A_155 = arith.muli %scan3A_136, %mul3A_154 : i32
      %mul3A_156 = arith.constant 16 : i32
      %mul3A_157 = arith.muli %mul3A_155, %mul3A_156 : i32
      %add3A_158 = arith.constant 8192 : i32
      %add3A_159 = arith.addi %add3A_158, %mul3A_157 : i32
      %swap3A_160 = arith.index_cast %add3A_159 : i32 to index
      %swap3A_161 = tpu.vector_load %arg8[%swap3A_160] {strides = array<i32>} : memref<16384xbf16, #tpu.memory_space<vmem>>, vector<32xbf16>,
      tpu.vector_store %arg8[%swap3A_160], %pack3A_153 {strides = array<i32>} : memref<16384xbf16, #tpu.memory_space<vmem>>, vector<32xbf16>,
    }
    %scan3A_15 = arith.constant 256 : i32
    "tpu.region"() ({
      %run_scoped3A = tpu.sem_alloc : memref<!tpu.dma_semaphore, #tpu.memory_space<semaphore_mem>>
      %dma_start3A = arith.constant 0 : i32
      %dma_start3A_59 = tpu.memref_slice %arg5[%add3A_4, %dma_start3A] : memref<64x100000xf32, #tpu.memory_space<hbm>> -> memref<1x100000xf32, #tpu.memory_space<hbm>>
      %dma_start3A_60 = tpu.memref_squeeze %dma_start3A_59 : memref<1x100000xf32, #tpu.memory_space<hbm>> -> memref<100000xf32, #tpu.memory_space<hbm>>
      %dma_start3A_61 = arith.constant 0 : i32
      %dma_start3A_62 = tpu.memref_slice %arg5[%add3A_4, %dma_start3A_61] : memref<64x100000xf32, #tpu.memory_space<hbm>> -> memref<1x100000xf32, #tpu.memory_space<hbm>>
      %dma_start3A_63 = tpu.memref_squeeze %dma_start3A_62 : memref<1x100000xf32, #tpu.memory_space<hbm>> -> memref<100000xf32, #tpu.memory_space<hbm>>
      tpu.enqueue_dma source(%dma_start3A_63 : memref<100000xf32, #tpu.memory_space<hbm>>) target(%arg7 : memref<100000xf32, #tpu.memory_space<vmem>>) target_semaphore(%run_scoped3A : memref<!tpu.dma_semaphore, #tpu.memory_space<semaphore_mem>>)
      %dma_wait3A = arith.constant 0 : i32
      %dma_wait3A_64 = tpu.memref_slice %arg5[%add3A_4, %dma_wait3A] : memref<64x100000xf32, #tpu.memory_space<hbm>> -> memref<1x100000xf32, #tpu.memory_space<hbm>>
      %dma_wait3A_65 = tpu.memref_squeeze %dma_wait3A_64 : memref<1x100000xf32, #tpu.memory_space<hbm>> -> memref<100000xf32, #tpu.memory_space<hbm>>
      %dma_wait3A_66 = arith.constant 0 : i32
      %dma_wait3A_67 = tpu.memref_slice %arg5[%add3A_4, %dma_wait3A_66] : memref<64x100000xf32, #tpu.memory_space<hbm>> -> memref<1x100000xf32, #tpu.memory_space<hbm>>
      %dma_wait3A_68 = tpu.memref_squeeze %dma_wait3A_67 : memref<1x100000xf32, #tpu.memory_space<hbm>> -> memref<100000xf32, #tpu.memory_space<hbm>>
      tpu.wait_dma2 semaphore(%run_scoped3A : memref<!tpu.dma_semaphore, #tpu.memory_space<semaphore_mem>>) src(%dma_wait3A_68 : memref<100000xf32, #tpu.memory_space<hbm>>) dst(%arg7 : memref<100000xf32, #tpu.memory_space<vmem>>)
      tpu.yield
    }) : () -> ()
    "tpu.region"() ({
      %run_scoped3A = tpu.sem_alloc : memref<!tpu.dma_semaphore, #tpu.memory_space<semaphore_mem>>
      %dma_start3A = arith.constant 0 : i32
      %dma_start3A_59 = tpu.memref_slice %arg3[%dma_start3A] : memref<16384xi32, #tpu.memory_space<hbm>> -> memref<8192xi32, #tpu.memory_space<hbm>>
      %dma_start3A_60 = arith.constant 0 : i32
      %dma_start3A_61 = tpu.memref_slice %arg3[%dma_start3A_60] : memref<16384xi32, #tpu.memory_space<hbm>> -> memref<8192xi32, #tpu.memory_space<hbm>>
      tpu.enqueue_dma source(%dma_start3A_61 : memref<8192xi32, #tpu.memory_space<hbm>>) target(%arg10 : memref<8192xi32, #tpu.memory_space<vmem>>) target_semaphore(%run_scoped3A : memref<!tpu.dma_semaphore, #tpu.memory_space<semaphore_mem>>)
      %dma_wait3A = arith.constant 0 : i32
      %dma_wait3A_62 = tpu.memref_slice %arg3[%dma_wait3A] : memref<16384xi32, #tpu.memory_space<hbm>> -> memref<8192xi32, #tpu.memory_space<hbm>>
      %dma_wait3A_63 = arith.constant 0 : i32
      %dma_wait3A_64 = tpu.memref_slice %arg3[%dma_wait3A_63] : memref<16384xi32, #tpu.memory_space<hbm>> -> memref<8192xi32, #tpu.memory_space<hbm>>
      tpu.wait_dma2 semaphore(%run_scoped3A : memref<!tpu.dma_semaphore, #tpu.memory_space<semaphore_mem>>) src(%dma_wait3A_64 : memref<8192xi32, #tpu.memory_space<hbm>>) dst(%arg10 : memref<8192xi32, #tpu.memory_space<vmem>>)
      tpu.yield
    }) : () -> ()
    %scan3A_16 = arith.constant 0 : i32
    %scan3A_17 = arith.constant 0 : i32
    %scan3A_18 = arith.constant 256 : i32
    %scan3A_19 = arith.addi %scan3A_17, %scan3A_18 : i32
    %scan3A_20 = arith.constant 4 : i32
    scf.for %scan3A_59 = %scan3A_17 to %scan3A_19 step %scan3A_20  : i32 {
      %mul3A_60 = arith.constant 2 : i32
      %mul3A_61 = arith.muli %scan3A_59, %mul3A_60 : i32
      %mul3A_62 = arith.constant 16 : i32
      %mul3A_63 = arith.muli %mul3A_61, %mul3A_62 : i32
      %add3A_64 = arith.constant 0 : i32
      %add3A_65 = arith.addi %add3A_64, %mul3A_63 : i32
      %mul3A_66 = arith.constant 2 : i32
      %mul3A_67 = arith.muli %scan3A_59, %mul3A_66 : i32
      %mul3A_68 = arith.constant 16 : i32
      %mul3A_69 = arith.muli %mul3A_67, %mul3A_68 : i32
      %get3A = arith.index_cast %mul3A_69 : i32 to index
      %get3A_70 = tpu.vector_load %arg10[%get3A] {strides = array<i32>} : memref<8192xi32, #tpu.memory_space<vmem>>, vector<16xi32>,
      %mul3A_71 = arith.constant 2 : i32
      %mul3A_72 = arith.muli %scan3A_59, %mul3A_71 : i32
      %mul3A_73 = arith.constant 16 : i32
      %mul3A_74 = arith.muli %mul3A_72, %mul3A_73 : i32
      %add3A_75 = arith.constant 16 : i32
      %add3A_76 = arith.addi %mul3A_74, %add3A_75 : i32
      %get3A_77 = arith.index_cast %add3A_76 : i32 to index
      %get3A_78 = tpu.vector_load %arg10[%get3A_77] {strides = array<i32>} : memref<8192xi32, #tpu.memory_space<vmem>>, vector<16xi32>,
      %gather3A = tpu.vector_load_idx %arg7[%get3A_70] : memref<100000xf32, #tpu.memory_space<vmem>>[vector<16xi32>], vector<16xf32>,
      %gather3A_79 = tpu.vector_load_idx %arg7[%get3A_78] : memref<100000xf32, #tpu.memory_space<vmem>>[vector<16xi32>], vector<16xf32>,
      %get3A_80 = arith.index_cast %add3A_65 : i32 to index
      %get3A_81 = tpu.vector_load %arg8[%get3A_80] {strides = array<i32>} : memref<16384xbf16, #tpu.memory_space<vmem>>, vector<32xbf16>,
      %unpack3A = tpu.unpack_subelements %get3A_81, 0 {pack_format = #tpu.pack_format<interleaved>} : vector<32xbf16> -> vector<16xf32>
      %unpack3A_82 = tpu.unpack_subelements %get3A_81, 1 {pack_format = #tpu.pack_format<interleaved>} : vector<32xbf16> -> vector<16xf32>
      %mul3A_83 = arith.mulf %unpack3A, %gather3A : vector<16xf32>
      %mul3A_84 = arith.mulf %unpack3A_82, %gather3A_79 : vector<16xf32>
      %pack3A = tpu.pack_subelements %mul3A_83, %mul3A_84 {pack_format = #tpu.pack_format<interleaved>, positions = array<i32: 0, 1>} : vector<16xf32>, vector<16xf32> -> vector<32xbf16>
      %swap3A = arith.index_cast %add3A_65 : i32 to index
      %swap3A_85 = tpu.vector_load %arg9[%swap3A] {strides = array<i32>} : memref<16384xbf16, #tpu.memory_space<vmem>>, vector<32xbf16>,
      tpu.vector_store %arg9[%swap3A], %pack3A {strides = array<i32>} : memref<16384xbf16, #tpu.memory_space<vmem>>, vector<32xbf16>,
      %scan3A_86 = arith.constant 1 : i32
      %scan3A_87 = arith.addi %scan3A_59, %scan3A_86 : i32
      %mul3A_88 = arith.constant 2 : i32
      %mul3A_89 = arith.muli %scan3A_87, %mul3A_88 : i32
      %mul3A_90 = arith.constant 16 : i32
      %mul3A_91 = arith.muli %mul3A_89, %mul3A_90 : i32
      %add3A_92 = arith.constant 0 : i32
      %add3A_93 = arith.addi %add3A_92, %mul3A_91 : i32
      %mul3A_94 = arith.constant 2 : i32
      %mul3A_95 = arith.muli %scan3A_87, %mul3A_94 : i32
      %mul3A_96 = arith.constant 16 : i32
      %mul3A_97 = arith.muli %mul3A_95, %mul3A_96 : i32
      %get3A_98 = arith.index_cast %mul3A_97 : i32 to index
      %get3A_99 = tpu.vector_load %arg10[%get3A_98] {strides = array<i32>} : memref<8192xi32, #tpu.memory_space<vmem>>, vector<16xi32>,
      %mul3A_100 = arith.constant 2 : i32
      %mul3A_101 = arith.muli %scan3A_87, %mul3A_100 : i32
      %mul3A_102 = arith.constant 16 : i32
      %mul3A_103 = arith.muli %mul3A_101, %mul3A_102 : i32
      %add3A_104 = arith.constant 16 : i32
      %add3A_105 = arith.addi %mul3A_103, %add3A_104 : i32
      %get3A_106 = arith.index_cast %add3A_105 : i32 to index
      %get3A_107 = tpu.vector_load %arg10[%get3A_106] {strides = array<i32>} : memref<8192xi32, #tpu.memory_space<vmem>>, vector<16xi32>,
      %gather3A_108 = tpu.vector_load_idx %arg7[%get3A_99] : memref<100000xf32, #tpu.memory_space<vmem>>[vector<16xi32>], vector<16xf32>,
      %gather3A_109 = tpu.vector_load_idx %arg7[%get3A_107] : memref<100000xf32, #tpu.memory_space<vmem>>[vector<16xi32>], vector<16xf32>,
      %get3A_110 = arith.index_cast %add3A_93 : i32 to index
      %get3A_111 = tpu.vector_load %arg8[%get3A_110] {strides = array<i32>} : memref<16384xbf16, #tpu.memory_space<vmem>>, vector<32xbf16>,
      %unpack3A_112 = tpu.unpack_subelements %get3A_111, 0 {pack_format = #tpu.pack_format<interleaved>} : vector<32xbf16> -> vector<16xf32>
      %unpack3A_113 = tpu.unpack_subelements %get3A_111, 1 {pack_format = #tpu.pack_format<interleaved>} : vector<32xbf16> -> vector<16xf32>
      %mul3A_114 = arith.mulf %unpack3A_112, %gather3A_108 : vector<16xf32>
      %mul3A_115 = arith.mulf %unpack3A_113, %gather3A_109 : vector<16xf32>
      %pack3A_116 = tpu.pack_subelements %mul3A_114, %mul3A_115 {pack_format = #tpu.pack_format<interleaved>, positions = array<i32: 0, 1>} : vector<16xf32>, vector<16xf32> -> vector<32xbf16>
      %swap3A_117 = arith.index_cast %add3A_93 : i32 to index
      %swap3A_118 = tpu.vector_load %arg9[%swap3A_117] {strides = array<i32>} : memref<16384xbf16, #tpu.memory_space<vmem>>, vector<32xbf16>,
      tpu.vector_store %arg9[%swap3A_117], %pack3A_116 {strides = array<i32>} : memref<16384xbf16, #tpu.memory_space<vmem>>, vector<32xbf16>,
      %scan3A_119 = arith.constant 2 : i32
      %scan3A_120 = arith.addi %scan3A_59, %scan3A_119 : i32
      %mul3A_121 = arith.constant 2 : i32
      %mul3A_122 = arith.muli %scan3A_120, %mul3A_121 : i32
      %mul3A_123 = arith.constant 16 : i32
      %mul3A_124 = arith.muli %mul3A_122, %mul3A_123 : i32
      %add3A_125 = arith.constant 0 : i32
      %add3A_126 = arith.addi %add3A_125, %mul3A_124 : i32
      %mul3A_127 = arith.constant 2 : i32
      %mul3A_128 = arith.muli %scan3A_120, %mul3A_127 : i32
      %mul3A_129 = arith.constant 16 : i32
      %mul3A_130 = arith.muli %mul3A_128, %mul3A_129 : i32
      %get3A_131 = arith.index_cast %mul3A_130 : i32 to index
      %get3A_132 = tpu.vector_load %arg10[%get3A_131] {strides = array<i32>} : memref<8192xi32, #tpu.memory_space<vmem>>, vector<16xi32>,
      %mul3A_133 = arith.constant 2 : i32
      %mul3A_134 = arith.muli %scan3A_120, %mul3A_133 : i32
      %mul3A_135 = arith.constant 16 : i32
      %mul3A_136 = arith.muli %mul3A_134, %mul3A_135 : i32
      %add3A_137 = arith.constant 16 : i32
      %add3A_138 = arith.addi %mul3A_136, %add3A_137 : i32
      %get3A_139 = arith.index_cast %add3A_138 : i32 to index
      %get3A_140 = tpu.vector_load %arg10[%get3A_139] {strides = array<i32>} : memref<8192xi32, #tpu.memory_space<vmem>>, vector<16xi32>,
      %gather3A_141 = tpu.vector_load_idx %arg7[%get3A_132] : memref<100000xf32, #tpu.memory_space<vmem>>[vector<16xi32>], vector<16xf32>,
      %gather3A_142 = tpu.vector_load_idx %arg7[%get3A_140] : memref<100000xf32, #tpu.memory_space<vmem>>[vector<16xi32>], vector<16xf32>,
      %get3A_143 = arith.index_cast %add3A_126 : i32 to index
      %get3A_144 = tpu.vector_load %arg8[%get3A_143] {strides = array<i32>} : memref<16384xbf16, #tpu.memory_space<vmem>>, vector<32xbf16>,
      %unpack3A_145 = tpu.unpack_subelements %get3A_144, 0 {pack_format = #tpu.pack_format<interleaved>} : vector<32xbf16> -> vector<16xf32>
      %unpack3A_146 = tpu.unpack_subelements %get3A_144, 1 {pack_format = #tpu.pack_format<interleaved>} : vector<32xbf16> -> vector<16xf32>
      %mul3A_147 = arith.mulf %unpack3A_145, %gather3A_141 : vector<16xf32>
      %mul3A_148 = arith.mulf %unpack3A_146, %gather3A_142 : vector<16xf32>
      %pack3A_149 = tpu.pack_subelements %mul3A_147, %mul3A_148 {pack_format = #tpu.pack_format<interleaved>, positions = array<i32: 0, 1>} : vector<16xf32>, vector<16xf32> -> vector<32xbf16>
      %swap3A_150 = arith.index_cast %add3A_126 : i32 to index
      %swap3A_151 = tpu.vector_load %arg9[%swap3A_150] {strides = array<i32>} : memref<16384xbf16, #tpu.memory_space<vmem>>, vector<32xbf16>,
      tpu.vector_store %arg9[%swap3A_150], %pack3A_149 {strides = array<i32>} : memref<16384xbf16, #tpu.memory_space<vmem>>, vector<32xbf16>,
      %scan3A_152 = arith.constant 3 : i32
      %scan3A_153 = arith.addi %scan3A_59, %scan3A_152 : i32
      %mul3A_154 = arith.constant 2 : i32
      %mul3A_155 = arith.muli %scan3A_153, %mul3A_154 : i32
      %mul3A_156 = arith.constant 16 : i32
      %mul3A_157 = arith.muli %mul3A_155, %mul3A_156 : i32
      %add3A_158 = arith.constant 0 : i32
      %add3A_159 = arith.addi %add3A_158, %mul3A_157 : i32
      %mul3A_160 = arith.constant 2 : i32
      %mul3A_161 = arith.muli %scan3A_153, %mul3A_160 : i32
      %mul3A_162 = arith.constant 16 : i32
      %mul3A_163 = arith.muli %mul3A_161, %mul3A_162 : i32
      %get3A_164 = arith.index_cast %mul3A_163 : i32 to index
      %get3A_165 = tpu.vector_load %arg10[%get3A_164] {strides = array<i32>} : memref<8192xi32, #tpu.memory_space<vmem>>, vector<16xi32>,
      %mul3A_166 = arith.constant 2 : i32
      %mul3A_167 = arith.muli %scan3A_153, %mul3A_166 : i32
      %mul3A_168 = arith.constant 16 : i32
      %mul3A_169 = arith.muli %mul3A_167, %mul3A_168 : i32
      %add3A_170 = arith.constant 16 : i32
      %add3A_171 = arith.addi %mul3A_169, %add3A_170 : i32
      %get3A_172 = arith.index_cast %add3A_171 : i32 to index
      %get3A_173 = tpu.vector_load %arg10[%get3A_172] {strides = array<i32>} : memref<8192xi32, #tpu.memory_space<vmem>>, vector<16xi32>,
      %gather3A_174 = tpu.vector_load_idx %arg7[%get3A_165] : memref<100000xf32, #tpu.memory_space<vmem>>[vector<16xi32>], vector<16xf32>,
      %gather3A_175 = tpu.vector_load_idx %arg7[%get3A_173] : memref<100000xf32, #tpu.memory_space<vmem>>[vector<16xi32>], vector<16xf32>,
      %get3A_176 = arith.index_cast %add3A_159 : i32 to index
      %get3A_177 = tpu.vector_load %arg8[%get3A_176] {strides = array<i32>} : memref<16384xbf16, #tpu.memory_space<vmem>>, vector<32xbf16>,
      %unpack3A_178 = tpu.unpack_subelements %get3A_177, 0 {pack_format = #tpu.pack_format<interleaved>} : vector<32xbf16> -> vector<16xf32>
      %unpack3A_179 = tpu.unpack_subelements %get3A_177, 1 {pack_format = #tpu.pack_format<interleaved>} : vector<32xbf16> -> vector<16xf32>
      %mul3A_180 = arith.mulf %unpack3A_178, %gather3A_174 : vector<16xf32>
      %mul3A_181 = arith.mulf %unpack3A_179, %gather3A_175 : vector<16xf32>
      %pack3A_182 = tpu.pack_subelements %mul3A_180, %mul3A_181 {pack_format = #tpu.pack_format<interleaved>, positions = array<i32: 0, 1>} : vector<16xf32>, vector<16xf32> -> vector<32xbf16>
      %swap3A_183 = arith.index_cast %add3A_159 : i32 to index
      %swap3A_184 = tpu.vector_load %arg9[%swap3A_183] {strides = array<i32>} : memref<16384xbf16, #tpu.memory_space<vmem>>, vector<32xbf16>,
      tpu.vector_store %arg9[%swap3A_183], %pack3A_182 {strides = array<i32>} : memref<16384xbf16, #tpu.memory_space<vmem>>, vector<32xbf16>,
    }
    %scan3A_21 = arith.constant 256 : i32
    "tpu.region"() ({
      %run_scoped3A = tpu.sem_alloc : memref<!tpu.dma_semaphore, #tpu.memory_space<semaphore_mem>>
      %dma_start3A = arith.constant 8192 : i32
      %dma_start3A_59 = tpu.memref_slice %arg3[%dma_start3A] : memref<16384xi32, #tpu.memory_space<hbm>> -> memref<8192xi32, #tpu.memory_space<hbm>>
      %dma_start3A_60 = arith.constant 8192 : i32
      %dma_start3A_61 = tpu.memref_slice %arg3[%dma_start3A_60] : memref<16384xi32, #tpu.memory_space<hbm>> -> memref<8192xi32, #tpu.memory_space<hbm>>
      tpu.enqueue_dma source(%dma_start3A_61 : memref<8192xi32, #tpu.memory_space<hbm>>) target(%arg10 : memref<8192xi32, #tpu.memory_space<vmem>>) target_semaphore(%run_scoped3A : memref<!tpu.dma_semaphore, #tpu.memory_space<semaphore_mem>>)
      %dma_wait3A = arith.constant 8192 : i32
      %dma_wait3A_62 = tpu.memref_slice %arg3[%dma_wait3A] : memref<16384xi32, #tpu.memory_space<hbm>> -> memref<8192xi32, #tpu.memory_space<hbm>>
      %dma_wait3A_63 = arith.constant 8192 : i32
      %dma_wait3A_64 = tpu.memref_slice %arg3[%dma_wait3A_63] : memref<16384xi32, #tpu.memory_space<hbm>> -> memref<8192xi32, #tpu.memory_space<hbm>>
      tpu.wait_dma2 semaphore(%run_scoped3A : memref<!tpu.dma_semaphore, #tpu.memory_space<semaphore_mem>>) src(%dma_wait3A_64 : memref<8192xi32, #tpu.memory_space<hbm>>) dst(%arg10 : memref<8192xi32, #tpu.memory_space<vmem>>)
      tpu.yield
    }) : () -> ()
    %scan3A_22 = arith.constant 0 : i32
    %scan3A_23 = arith.constant 0 : i32
    %scan3A_24 = arith.constant 256 : i32
    %scan3A_25 = arith.addi %scan3A_23, %scan3A_24 : i32
    %scan3A_26 = arith.constant 4 : i32
    scf.for %scan3A_59 = %scan3A_23 to %scan3A_25 step %scan3A_26  : i32 {
      %mul3A_60 = arith.constant 2 : i32
      %mul3A_61 = arith.muli %scan3A_59, %mul3A_60 : i32
      %mul3A_62 = arith.constant 16 : i32
      %mul3A_63 = arith.muli %mul3A_61, %mul3A_62 : i32
      %add3A_64 = arith.constant 8192 : i32
      %add3A_65 = arith.addi %add3A_64, %mul3A_63 : i32
      %mul3A_66 = arith.constant 2 : i32
      %mul3A_67 = arith.muli %scan3A_59, %mul3A_66 : i32
      %mul3A_68 = arith.constant 16 : i32
      %mul3A_69 = arith.muli %mul3A_67, %mul3A_68 : i32
      %get3A = arith.index_cast %mul3A_69 : i32 to index
      %get3A_70 = tpu.vector_load %arg10[%get3A] {strides = array<i32>} : memref<8192xi32, #tpu.memory_space<vmem>>, vector<16xi32>,
      %mul3A_71 = arith.constant 2 : i32
      %mul3A_72 = arith.muli %scan3A_59, %mul3A_71 : i32
      %mul3A_73 = arith.constant 16 : i32
      %mul3A_74 = arith.muli %mul3A_72, %mul3A_73 : i32
      %add3A_75 = arith.constant 16 : i32
      %add3A_76 = arith.addi %mul3A_74, %add3A_75 : i32
      %get3A_77 = arith.index_cast %add3A_76 : i32 to index
      %get3A_78 = tpu.vector_load %arg10[%get3A_77] {strides = array<i32>} : memref<8192xi32, #tpu.memory_space<vmem>>, vector<16xi32>,
      %gather3A = tpu.vector_load_idx %arg7[%get3A_70] : memref<100000xf32, #tpu.memory_space<vmem>>[vector<16xi32>], vector<16xf32>,
      %gather3A_79 = tpu.vector_load_idx %arg7[%get3A_78] : memref<100000xf32, #tpu.memory_space<vmem>>[vector<16xi32>], vector<16xf32>,
      %get3A_80 = arith.index_cast %add3A_65 : i32 to index
      %get3A_81 = tpu.vector_load %arg8[%get3A_80] {strides = array<i32>} : memref<16384xbf16, #tpu.memory_space<vmem>>, vector<32xbf16>,
      %unpack3A = tpu.unpack_subelements %get3A_81, 0 {pack_format = #tpu.pack_format<interleaved>} : vector<32xbf16> -> vector<16xf32>
      %unpack3A_82 = tpu.unpack_subelements %get3A_81, 1 {pack_format = #tpu.pack_format<interleaved>} : vector<32xbf16> -> vector<16xf32>
      %mul3A_83 = arith.mulf %unpack3A, %gather3A : vector<16xf32>
      %mul3A_84 = arith.mulf %unpack3A_82, %gather3A_79 : vector<16xf32>
      %pack3A = tpu.pack_subelements %mul3A_83, %mul3A_84 {pack_format = #tpu.pack_format<interleaved>, positions = array<i32: 0, 1>} : vector<16xf32>, vector<16xf32> -> vector<32xbf16>
      %swap3A = arith.index_cast %add3A_65 : i32 to index
      %swap3A_85 = tpu.vector_load %arg9[%swap3A] {strides = array<i32>} : memref<16384xbf16, #tpu.memory_space<vmem>>, vector<32xbf16>,
      tpu.vector_store %arg9[%swap3A], %pack3A {strides = array<i32>} : memref<16384xbf16, #tpu.memory_space<vmem>>, vector<32xbf16>,
      %scan3A_86 = arith.constant 1 : i32
      %scan3A_87 = arith.addi %scan3A_59, %scan3A_86 : i32
      %mul3A_88 = arith.constant 2 : i32
      %mul3A_89 = arith.muli %scan3A_87, %mul3A_88 : i32
      %mul3A_90 = arith.constant 16 : i32
      %mul3A_91 = arith.muli %mul3A_89, %mul3A_90 : i32
      %add3A_92 = arith.constant 8192 : i32
      %add3A_93 = arith.addi %add3A_92, %mul3A_91 : i32
      %mul3A_94 = arith.constant 2 : i32
      %mul3A_95 = arith.muli %scan3A_87, %mul3A_94 : i32
      %mul3A_96 = arith.constant 16 : i32
      %mul3A_97 = arith.muli %mul3A_95, %mul3A_96 : i32
      %get3A_98 = arith.index_cast %mul3A_97 : i32 to index
      %get3A_99 = tpu.vector_load %arg10[%get3A_98] {strides = array<i32>} : memref<8192xi32, #tpu.memory_space<vmem>>, vector<16xi32>,
      %mul3A_100 = arith.constant 2 : i32
      %mul3A_101 = arith.muli %scan3A_87, %mul3A_100 : i32
      %mul3A_102 = arith.constant 16 : i32
      %mul3A_103 = arith.muli %mul3A_101, %mul3A_102 : i32
      %add3A_104 = arith.constant 16 : i32
      %add3A_105 = arith.addi %mul3A_103, %add3A_104 : i32
      %get3A_106 = arith.index_cast %add3A_105 : i32 to index
      %get3A_107 = tpu.vector_load %arg10[%get3A_106] {strides = array<i32>} : memref<8192xi32, #tpu.memory_space<vmem>>, vector<16xi32>,
      %gather3A_108 = tpu.vector_load_idx %arg7[%get3A_99] : memref<100000xf32, #tpu.memory_space<vmem>>[vector<16xi32>], vector<16xf32>,
      %gather3A_109 = tpu.vector_load_idx %arg7[%get3A_107] : memref<100000xf32, #tpu.memory_space<vmem>>[vector<16xi32>], vector<16xf32>,
      %get3A_110 = arith.index_cast %add3A_93 : i32 to index
      %get3A_111 = tpu.vector_load %arg8[%get3A_110] {strides = array<i32>} : memref<16384xbf16, #tpu.memory_space<vmem>>, vector<32xbf16>,
      %unpack3A_112 = tpu.unpack_subelements %get3A_111, 0 {pack_format = #tpu.pack_format<interleaved>} : vector<32xbf16> -> vector<16xf32>
      %unpack3A_113 = tpu.unpack_subelements %get3A_111, 1 {pack_format = #tpu.pack_format<interleaved>} : vector<32xbf16> -> vector<16xf32>
      %mul3A_114 = arith.mulf %unpack3A_112, %gather3A_108 : vector<16xf32>
      %mul3A_115 = arith.mulf %unpack3A_113, %gather3A_109 : vector<16xf32>
      %pack3A_116 = tpu.pack_subelements %mul3A_114, %mul3A_115 {pack_format = #tpu.pack_format<interleaved>, positions = array<i32: 0, 1>} : vector<16xf32>, vector<16xf32> -> vector<32xbf16>
      %swap3A_117 = arith.index_cast %add3A_93 : i32 to index
      %swap3A_118 = tpu.vector_load %arg9[%swap3A_117] {strides = array<i32>} : memref<16384xbf16, #tpu.memory_space<vmem>>, vector<32xbf16>,
      tpu.vector_store %arg9[%swap3A_117], %pack3A_116 {strides = array<i32>} : memref<16384xbf16, #tpu.memory_space<vmem>>, vector<32xbf16>,
      %scan3A_119 = arith.constant 2 : i32
      %scan3A_120 = arith.addi %scan3A_59, %scan3A_119 : i32
      %mul3A_121 = arith.constant 2 : i32
      %mul3A_122 = arith.muli %scan3A_120, %mul3A_121 : i32
      %mul3A_123 = arith.constant 16 : i32
      %mul3A_124 = arith.muli %mul3A_122, %mul3A_123 : i32
      %add3A_125 = arith.constant 8192 : i32
      %add3A_126 = arith.addi %add3A_125, %mul3A_124 : i32
      %mul3A_127 = arith.constant 2 : i32
      %mul3A_128 = arith.muli %scan3A_120, %mul3A_127 : i32
      %mul3A_129 = arith.constant 16 : i32
      %mul3A_130 = arith.muli %mul3A_128, %mul3A_129 : i32
      %get3A_131 = arith.index_cast %mul3A_130 : i32 to index
      %get3A_132 = tpu.vector_load %arg10[%get3A_131] {strides = array<i32>} : memref<8192xi32, #tpu.memory_space<vmem>>, vector<16xi32>,
      %mul3A_133 = arith.constant 2 : i32
      %mul3A_134 = arith.muli %scan3A_120, %mul3A_133 : i32
      %mul3A_135 = arith.constant 16 : i32
      %mul3A_136 = arith.muli %mul3A_134, %mul3A_135 : i32
      %add3A_137 = arith.constant 16 : i32
      %add3A_138 = arith.addi %mul3A_136, %add3A_137 : i32
      %get3A_139 = arith.index_cast %add3A_138 : i32 to index
      %get3A_140 = tpu.vector_load %arg10[%get3A_139] {strides = array<i32>} : memref<8192xi32, #tpu.memory_space<vmem>>, vector<16xi32>,
      %gather3A_141 = tpu.vector_load_idx %arg7[%get3A_132] : memref<100000xf32, #tpu.memory_space<vmem>>[vector<16xi32>], vector<16xf32>,
      %gather3A_142 = tpu.vector_load_idx %arg7[%get3A_140] : memref<100000xf32, #tpu.memory_space<vmem>>[vector<16xi32>], vector<16xf32>,
      %get3A_143 = arith.index_cast %add3A_126 : i32 to index
      %get3A_144 = tpu.vector_load %arg8[%get3A_143] {strides = array<i32>} : memref<16384xbf16, #tpu.memory_space<vmem>>, vector<32xbf16>,
      %unpack3A_145 = tpu.unpack_subelements %get3A_144, 0 {pack_format = #tpu.pack_format<interleaved>} : vector<32xbf16> -> vector<16xf32>
      %unpack3A_146 = tpu.unpack_subelements %get3A_144, 1 {pack_format = #tpu.pack_format<interleaved>} : vector<32xbf16> -> vector<16xf32>
      %mul3A_147 = arith.mulf %unpack3A_145, %gather3A_141 : vector<16xf32>
      %mul3A_148 = arith.mulf %unpack3A_146, %gather3A_142 : vector<16xf32>
      %pack3A_149 = tpu.pack_subelements %mul3A_147, %mul3A_148 {pack_format = #tpu.pack_format<interleaved>, positions = array<i32: 0, 1>} : vector<16xf32>, vector<16xf32> -> vector<32xbf16>
      %swap3A_150 = arith.index_cast %add3A_126 : i32 to index
      %swap3A_151 = tpu.vector_load %arg9[%swap3A_150] {strides = array<i32>} : memref<16384xbf16, #tpu.memory_space<vmem>>, vector<32xbf16>,
      tpu.vector_store %arg9[%swap3A_150], %pack3A_149 {strides = array<i32>} : memref<16384xbf16, #tpu.memory_space<vmem>>, vector<32xbf16>,
      %scan3A_152 = arith.constant 3 : i32
      %scan3A_153 = arith.addi %scan3A_59, %scan3A_152 : i32
      %mul3A_154 = arith.constant 2 : i32
      %mul3A_155 = arith.muli %scan3A_153, %mul3A_154 : i32
      %mul3A_156 = arith.constant 16 : i32
      %mul3A_157 = arith.muli %mul3A_155, %mul3A_156 : i32
      %add3A_158 = arith.constant 8192 : i32
      %add3A_159 = arith.addi %add3A_158, %mul3A_157 : i32
      %mul3A_160 = arith.constant 2 : i32
      %mul3A_161 = arith.muli %scan3A_153, %mul3A_160 : i32
      %mul3A_162 = arith.constant 16 : i32
      %mul3A_163 = arith.muli %mul3A_161, %mul3A_162 : i32
      %get3A_164 = arith.index_cast %mul3A_163 : i32 to index
      %get3A_165 = tpu.vector_load %arg10[%get3A_164] {strides = array<i32>} : memref<8192xi32, #tpu.memory_space<vmem>>, vector<16xi32>,
      %mul3A_166 = arith.constant 2 : i32
      %mul3A_167 = arith.muli %scan3A_153, %mul3A_166 : i32
      %mul3A_168 = arith.constant 16 : i32
      %mul3A_169 = arith.muli %mul3A_167, %mul3A_168 : i32
      %add3A_170 = arith.constant 16 : i32
      %add3A_171 = arith.addi %mul3A_169, %add3A_170 : i32
      %get3A_172 = arith.index_cast %add3A_171 : i32 to index
      %get3A_173 = tpu.vector_load %arg10[%get3A_172] {strides = array<i32>} : memref<8192xi32, #tpu.memory_space<vmem>>, vector<16xi32>,
      %gather3A_174 = tpu.vector_load_idx %arg7[%get3A_165] : memref<100000xf32, #tpu.memory_space<vmem>>[vector<16xi32>], vector<16xf32>,
      %gather3A_175 = tpu.vector_load_idx %arg7[%get3A_173] : memref<100000xf32, #tpu.memory_space<vmem>>[vector<16xi32>], vector<16xf32>,
      %get3A_176 = arith.index_cast %add3A_159 : i32 to index
      %get3A_177 = tpu.vector_load %arg8[%get3A_176] {strides = array<i32>} : memref<16384xbf16, #tpu.memory_space<vmem>>, vector<32xbf16>,
      %unpack3A_178 = tpu.unpack_subelements %get3A_177, 0 {pack_format = #tpu.pack_format<interleaved>} : vector<32xbf16> -> vector<16xf32>
      %unpack3A_179 = tpu.unpack_subelements %get3A_177, 1 {pack_format = #tpu.pack_format<interleaved>} : vector<32xbf16> -> vector<16xf32>
      %mul3A_180 = arith.mulf %unpack3A_178, %gather3A_174 : vector<16xf32>
      %mul3A_181 = arith.mulf %unpack3A_179, %gather3A_175 : vector<16xf32>
      %pack3A_182 = tpu.pack_subelements %mul3A_180, %mul3A_181 {pack_format = #tpu.pack_format<interleaved>, positions = array<i32: 0, 1>} : vector<16xf32>, vector<16xf32> -> vector<32xbf16>
      %swap3A_183 = arith.index_cast %add3A_159 : i32 to index
      %swap3A_184 = tpu.vector_load %arg9[%swap3A_183] {strides = array<i32>} : memref<16384xbf16, #tpu.memory_space<vmem>>, vector<32xbf16>,
      tpu.vector_store %arg9[%swap3A_183], %pack3A_182 {strides = array<i32>} : memref<16384xbf16, #tpu.memory_space<vmem>>, vector<32xbf16>,
    }
    %scan3A_27 = arith.constant 256 : i32
    %add3A_28 = arith.constant 1 : i32
    %add3A_29 = arith.addi %mul3A_2, %add3A_28 : i32
    "tpu.region"() ({
      %run_scoped3A = tpu.sem_alloc : memref<!tpu.dma_semaphore, #tpu.memory_space<semaphore_mem>>
      %dma_start3A = arith.constant 0 : i32
      %dma_start3A_59 = tpu.memref_slice %arg4[%add3A_29, %dma_start3A] : memref<64x100000xf32, #tpu.memory_space<hbm>> -> memref<1x100000xf32, #tpu.memory_space<hbm>>
      %dma_start3A_60 = tpu.memref_squeeze %dma_start3A_59 : memref<1x100000xf32, #tpu.memory_space<hbm>> -> memref<100000xf32, #tpu.memory_space<hbm>>
      %dma_start3A_61 = arith.constant 0 : i32
      %dma_start3A_62 = tpu.memref_slice %arg4[%add3A_29, %dma_start3A_61] : memref<64x100000xf32, #tpu.memory_space<hbm>> -> memref<1x100000xf32, #tpu.memory_space<hbm>>
      %dma_start3A_63 = tpu.memref_squeeze %dma_start3A_62 : memref<1x100000xf32, #tpu.memory_space<hbm>> -> memref<100000xf32, #tpu.memory_space<hbm>>
      tpu.enqueue_dma source(%dma_start3A_63 : memref<100000xf32, #tpu.memory_space<hbm>>) target(%arg7 : memref<100000xf32, #tpu.memory_space<vmem>>) target_semaphore(%run_scoped3A : memref<!tpu.dma_semaphore, #tpu.memory_space<semaphore_mem>>)
      %dma_wait3A = arith.constant 0 : i32
      %dma_wait3A_64 = tpu.memref_slice %arg4[%add3A_29, %dma_wait3A] : memref<64x100000xf32, #tpu.memory_space<hbm>> -> memref<1x100000xf32, #tpu.memory_space<hbm>>
      %dma_wait3A_65 = tpu.memref_squeeze %dma_wait3A_64 : memref<1x100000xf32, #tpu.memory_space<hbm>> -> memref<100000xf32, #tpu.memory_space<hbm>>
      %dma_wait3A_66 = arith.constant 0 : i32
      %dma_wait3A_67 = tpu.memref_slice %arg4[%add3A_29, %dma_wait3A_66] : memref<64x100000xf32, #tpu.memory_space<hbm>> -> memref<1x100000xf32, #tpu.memory_space<hbm>>
      %dma_wait3A_68 = tpu.memref_squeeze %dma_wait3A_67 : memref<1x100000xf32, #tpu.memory_space<hbm>> -> memref<100000xf32, #tpu.memory_space<hbm>>
      tpu.wait_dma2 semaphore(%run_scoped3A : memref<!tpu.dma_semaphore, #tpu.memory_space<semaphore_mem>>) src(%dma_wait3A_68 : memref<100000xf32, #tpu.memory_space<hbm>>) dst(%arg7 : memref<100000xf32, #tpu.memory_space<vmem>>)
      tpu.yield
    }) : () -> ()
    "tpu.region"() ({
      %run_scoped3A = tpu.sem_alloc : memref<!tpu.dma_semaphore, #tpu.memory_space<semaphore_mem>>
      %dma_start3A = arith.constant 0 : i32
      %dma_start3A_59 = tpu.memref_slice %arg2[%dma_start3A] : memref<16384xi32, #tpu.memory_space<hbm>> -> memref<8192xi32, #tpu.memory_space<hbm>>
      %dma_start3A_60 = arith.constant 0 : i32
      %dma_start3A_61 = tpu.memref_slice %arg2[%dma_start3A_60] : memref<16384xi32, #tpu.memory_space<hbm>> -> memref<8192xi32, #tpu.memory_space<hbm>>
      tpu.enqueue_dma source(%dma_start3A_61 : memref<8192xi32, #tpu.memory_space<hbm>>) target(%arg10 : memref<8192xi32, #tpu.memory_space<vmem>>) target_semaphore(%run_scoped3A : memref<!tpu.dma_semaphore, #tpu.memory_space<semaphore_mem>>)
      %dma_wait3A = arith.constant 0 : i32
      %dma_wait3A_62 = tpu.memref_slice %arg2[%dma_wait3A] : memref<16384xi32, #tpu.memory_space<hbm>> -> memref<8192xi32, #tpu.memory_space<hbm>>
      %dma_wait3A_63 = arith.constant 0 : i32
      %dma_wait3A_64 = tpu.memref_slice %arg2[%dma_wait3A_63] : memref<16384xi32, #tpu.memory_space<hbm>> -> memref<8192xi32, #tpu.memory_space<hbm>>
      tpu.wait_dma2 semaphore(%run_scoped3A : memref<!tpu.dma_semaphore, #tpu.memory_space<semaphore_mem>>) src(%dma_wait3A_64 : memref<8192xi32, #tpu.memory_space<hbm>>) dst(%arg10 : memref<8192xi32, #tpu.memory_space<vmem>>)
      tpu.yield
    }) : () -> ()
    %scan3A_30 = arith.constant 0 : i32
    %scan3A_31 = arith.constant 0 : i32
    %scan3A_32 = arith.constant 256 : i32
    %scan3A_33 = arith.addi %scan3A_31, %scan3A_32 : i32
    %scan3A_34 = arith.constant 4 : i32
    scf.for %scan3A_59 = %scan3A_31 to %scan3A_33 step %scan3A_34  : i32 {
      %mul3A_60 = arith.constant 2 : i32
      %mul3A_61 = arith.muli %scan3A_59, %mul3A_60 : i32
      %mul3A_62 = arith.constant 16 : i32
      %mul3A_63 = arith.muli %mul3A_61, %mul3A_62 : i32
      %get3A = arith.index_cast %mul3A_63 : i32 to index
      %get3A_64 = tpu.vector_load %arg10[%get3A] {strides = array<i32>} : memref<8192xi32, #tpu.memory_space<vmem>>, vector<16xi32>,
      %mul3A_65 = arith.constant 2 : i32
      %mul3A_66 = arith.muli %scan3A_59, %mul3A_65 : i32
      %mul3A_67 = arith.constant 16 : i32
      %mul3A_68 = arith.muli %mul3A_66, %mul3A_67 : i32
      %add3A_69 = arith.constant 16 : i32
      %add3A_70 = arith.addi %mul3A_68, %add3A_69 : i32
      %get3A_71 = arith.index_cast %add3A_70 : i32 to index
      %get3A_72 = tpu.vector_load %arg10[%get3A_71] {strides = array<i32>} : memref<8192xi32, #tpu.memory_space<vmem>>, vector<16xi32>,
      %gather3A = tpu.vector_load_idx %arg7[%get3A_64] : memref<100000xf32, #tpu.memory_space<vmem>>[vector<16xi32>], vector<16xf32>,
      %gather3A_73 = tpu.vector_load_idx %arg7[%get3A_72] : memref<100000xf32, #tpu.memory_space<vmem>>[vector<16xi32>], vector<16xf32>,
      %pack3A = tpu.pack_subelements %gather3A, %gather3A_73 {pack_format = #tpu.pack_format<interleaved>, positions = array<i32: 0, 1>} : vector<16xf32>, vector<16xf32> -> vector<32xbf16>
      %mul3A_74 = arith.constant 2 : i32
      %mul3A_75 = arith.muli %scan3A_59, %mul3A_74 : i32
      %mul3A_76 = arith.constant 16 : i32
      %mul3A_77 = arith.muli %mul3A_75, %mul3A_76 : i32
      %add3A_78 = arith.constant 0 : i32
      %add3A_79 = arith.addi %add3A_78, %mul3A_77 : i32
      %swap3A = arith.index_cast %add3A_79 : i32 to index
      %swap3A_80 = tpu.vector_load %arg8[%swap3A] {strides = array<i32>} : memref<16384xbf16, #tpu.memory_space<vmem>>, vector<32xbf16>,
      tpu.vector_store %arg8[%swap3A], %pack3A {strides = array<i32>} : memref<16384xbf16, #tpu.memory_space<vmem>>, vector<32xbf16>,
      %scan3A_81 = arith.constant 1 : i32
      %scan3A_82 = arith.addi %scan3A_59, %scan3A_81 : i32
      %mul3A_83 = arith.constant 2 : i32
      %mul3A_84 = arith.muli %scan3A_82, %mul3A_83 : i32
      %mul3A_85 = arith.constant 16 : i32
      %mul3A_86 = arith.muli %mul3A_84, %mul3A_85 : i32
      %get3A_87 = arith.index_cast %mul3A_86 : i32 to index
      %get3A_88 = tpu.vector_load %arg10[%get3A_87] {strides = array<i32>} : memref<8192xi32, #tpu.memory_space<vmem>>, vector<16xi32>,
      %mul3A_89 = arith.constant 2 : i32
      %mul3A_90 = arith.muli %scan3A_82, %mul3A_89 : i32
      %mul3A_91 = arith.constant 16 : i32
      %mul3A_92 = arith.muli %mul3A_90, %mul3A_91 : i32
      %add3A_93 = arith.constant 16 : i32
      %add3A_94 = arith.addi %mul3A_92, %add3A_93 : i32
      %get3A_95 = arith.index_cast %add3A_94 : i32 to index
      %get3A_96 = tpu.vector_load %arg10[%get3A_95] {strides = array<i32>} : memref<8192xi32, #tpu.memory_space<vmem>>, vector<16xi32>,
      %gather3A_97 = tpu.vector_load_idx %arg7[%get3A_88] : memref<100000xf32, #tpu.memory_space<vmem>>[vector<16xi32>], vector<16xf32>,
      %gather3A_98 = tpu.vector_load_idx %arg7[%get3A_96] : memref<100000xf32, #tpu.memory_space<vmem>>[vector<16xi32>], vector<16xf32>,
      %pack3A_99 = tpu.pack_subelements %gather3A_97, %gather3A_98 {pack_format = #tpu.pack_format<interleaved>, positions = array<i32: 0, 1>} : vector<16xf32>, vector<16xf32> -> vector<32xbf16>
      %mul3A_100 = arith.constant 2 : i32
      %mul3A_101 = arith.muli %scan3A_82, %mul3A_100 : i32
      %mul3A_102 = arith.constant 16 : i32
      %mul3A_103 = arith.muli %mul3A_101, %mul3A_102 : i32
      %add3A_104 = arith.constant 0 : i32
      %add3A_105 = arith.addi %add3A_104, %mul3A_103 : i32
      %swap3A_106 = arith.index_cast %add3A_105 : i32 to index
      %swap3A_107 = tpu.vector_load %arg8[%swap3A_106] {strides = array<i32>} : memref<16384xbf16, #tpu.memory_space<vmem>>, vector<32xbf16>,
      tpu.vector_store %arg8[%swap3A_106], %pack3A_99 {strides = array<i32>} : memref<16384xbf16, #tpu.memory_space<vmem>>, vector<32xbf16>,
      %scan3A_108 = arith.constant 2 : i32
      %scan3A_109 = arith.addi %scan3A_59, %scan3A_108 : i32
      %mul3A_110 = arith.constant 2 : i32
      %mul3A_111 = arith.muli %scan3A_109, %mul3A_110 : i32
      %mul3A_112 = arith.constant 16 : i32
      %mul3A_113 = arith.muli %mul3A_111, %mul3A_112 : i32
      %get3A_114 = arith.index_cast %mul3A_113 : i32 to index
      %get3A_115 = tpu.vector_load %arg10[%get3A_114] {strides = array<i32>} : memref<8192xi32, #tpu.memory_space<vmem>>, vector<16xi32>,
      %mul3A_116 = arith.constant 2 : i32
      %mul3A_117 = arith.muli %scan3A_109, %mul3A_116 : i32
      %mul3A_118 = arith.constant 16 : i32
      %mul3A_119 = arith.muli %mul3A_117, %mul3A_118 : i32
      %add3A_120 = arith.constant 16 : i32
      %add3A_121 = arith.addi %mul3A_119, %add3A_120 : i32
      %get3A_122 = arith.index_cast %add3A_121 : i32 to index
      %get3A_123 = tpu.vector_load %arg10[%get3A_122] {strides = array<i32>} : memref<8192xi32, #tpu.memory_space<vmem>>, vector<16xi32>,
      %gather3A_124 = tpu.vector_load_idx %arg7[%get3A_115] : memref<100000xf32, #tpu.memory_space<vmem>>[vector<16xi32>], vector<16xf32>,
      %gather3A_125 = tpu.vector_load_idx %arg7[%get3A_123] : memref<100000xf32, #tpu.memory_space<vmem>>[vector<16xi32>], vector<16xf32>,
      %pack3A_126 = tpu.pack_subelements %gather3A_124, %gather3A_125 {pack_format = #tpu.pack_format<interleaved>, positions = array<i32: 0, 1>} : vector<16xf32>, vector<16xf32> -> vector<32xbf16>
      %mul3A_127 = arith.constant 2 : i32
      %mul3A_128 = arith.muli %scan3A_109, %mul3A_127 : i32
      %mul3A_129 = arith.constant 16 : i32
      %mul3A_130 = arith.muli %mul3A_128, %mul3A_129 : i32
      %add3A_131 = arith.constant 0 : i32
      %add3A_132 = arith.addi %add3A_131, %mul3A_130 : i32
      %swap3A_133 = arith.index_cast %add3A_132 : i32 to index
      %swap3A_134 = tpu.vector_load %arg8[%swap3A_133] {strides = array<i32>} : memref<16384xbf16, #tpu.memory_space<vmem>>, vector<32xbf16>,
      tpu.vector_store %arg8[%swap3A_133], %pack3A_126 {strides = array<i32>} : memref<16384xbf16, #tpu.memory_space<vmem>>, vector<32xbf16>,
      %scan3A_135 = arith.constant 3 : i32
      %scan3A_136 = arith.addi %scan3A_59, %scan3A_135 : i32
      %mul3A_137 = arith.constant 2 : i32
      %mul3A_138 = arith.muli %scan3A_136, %mul3A_137 : i32
      %mul3A_139 = arith.constant 16 : i32
      %mul3A_140 = arith.muli %mul3A_138, %mul3A_139 : i32
      %get3A_141 = arith.index_cast %mul3A_140 : i32 to index
      %get3A_142 = tpu.vector_load %arg10[%get3A_141] {strides = array<i32>} : memref<8192xi32, #tpu.memory_space<vmem>>, vector<16xi32>,
      %mul3A_143 = arith.constant 2 : i32
      %mul3A_144 = arith.muli %scan3A_136, %mul3A_143 : i32
      %mul3A_145 = arith.constant 16 : i32
      %mul3A_146 = arith.muli %mul3A_144, %mul3A_145 : i32
      %add3A_147 = arith.constant 16 : i32
      %add3A_148 = arith.addi %mul3A_146, %add3A_147 : i32
      %get3A_149 = arith.index_cast %add3A_148 : i32 to index
      %get3A_150 = tpu.vector_load %arg10[%get3A_149] {strides = array<i32>} : memref<8192xi32, #tpu.memory_space<vmem>>, vector<16xi32>,
      %gather3A_151 = tpu.vector_load_idx %arg7[%get3A_142] : memref<100000xf32, #tpu.memory_space<vmem>>[vector<16xi32>], vector<16xf32>,
      %gather3A_152 = tpu.vector_load_idx %arg7[%get3A_150] : memref<100000xf32, #tpu.memory_space<vmem>>[vector<16xi32>], vector<16xf32>,
      %pack3A_153 = tpu.pack_subelements %gather3A_151, %gather3A_152 {pack_format = #tpu.pack_format<interleaved>, positions = array<i32: 0, 1>} : vector<16xf32>, vector<16xf32> -> vector<32xbf16>
      %mul3A_154 = arith.constant 2 : i32
      %mul3A_155 = arith.muli %scan3A_136, %mul3A_154 : i32
      %mul3A_156 = arith.constant 16 : i32
      %mul3A_157 = arith.muli %mul3A_155, %mul3A_156 : i32
      %add3A_158 = arith.constant 0 : i32
      %add3A_159 = arith.addi %add3A_158, %mul3A_157 : i32
      %swap3A_160 = arith.index_cast %add3A_159 : i32 to index
      %swap3A_161 = tpu.vector_load %arg8[%swap3A_160] {strides = array<i32>} : memref<16384xbf16, #tpu.memory_space<vmem>>, vector<32xbf16>,
      tpu.vector_store %arg8[%swap3A_160], %pack3A_153 {strides = array<i32>} : memref<16384xbf16, #tpu.memory_space<vmem>>, vector<32xbf16>,
    }
    %scan3A_35 = arith.constant 256 : i32
    "tpu.region"() ({
      %run_scoped3A = tpu.sem_alloc : memref<!tpu.dma_semaphore, #tpu.memory_space<semaphore_mem>>
      %dma_start3A = arith.constant 8192 : i32
      %dma_start3A_59 = tpu.memref_slice %arg2[%dma_start3A] : memref<16384xi32, #tpu.memory_space<hbm>> -> memref<8192xi32, #tpu.memory_space<hbm>>
      %dma_start3A_60 = arith.constant 8192 : i32
      %dma_start3A_61 = tpu.memref_slice %arg2[%dma_start3A_60] : memref<16384xi32, #tpu.memory_space<hbm>> -> memref<8192xi32, #tpu.memory_space<hbm>>
      tpu.enqueue_dma source(%dma_start3A_61 : memref<8192xi32, #tpu.memory_space<hbm>>) target(%arg10 : memref<8192xi32, #tpu.memory_space<vmem>>) target_semaphore(%run_scoped3A : memref<!tpu.dma_semaphore, #tpu.memory_space<semaphore_mem>>)
      %dma_wait3A = arith.constant 8192 : i32
      %dma_wait3A_62 = tpu.memref_slice %arg2[%dma_wait3A] : memref<16384xi32, #tpu.memory_space<hbm>> -> memref<8192xi32, #tpu.memory_space<hbm>>
      %dma_wait3A_63 = arith.constant 8192 : i32
      %dma_wait3A_64 = tpu.memref_slice %arg2[%dma_wait3A_63] : memref<16384xi32, #tpu.memory_space<hbm>> -> memref<8192xi32, #tpu.memory_space<hbm>>
      tpu.wait_dma2 semaphore(%run_scoped3A : memref<!tpu.dma_semaphore, #tpu.memory_space<semaphore_mem>>) src(%dma_wait3A_64 : memref<8192xi32, #tpu.memory_space<hbm>>) dst(%arg10 : memref<8192xi32, #tpu.memory_space<vmem>>)
      tpu.yield
    }) : () -> ()
    %scan3A_36 = arith.constant 0 : i32
    %scan3A_37 = arith.constant 0 : i32
    %scan3A_38 = arith.constant 256 : i32
    %scan3A_39 = arith.addi %scan3A_37, %scan3A_38 : i32
    %scan3A_40 = arith.constant 4 : i32
    scf.for %scan3A_59 = %scan3A_37 to %scan3A_39 step %scan3A_40  : i32 {
      %mul3A_60 = arith.constant 2 : i32
      %mul3A_61 = arith.muli %scan3A_59, %mul3A_60 : i32
      %mul3A_62 = arith.constant 16 : i32
      %mul3A_63 = arith.muli %mul3A_61, %mul3A_62 : i32
      %get3A = arith.index_cast %mul3A_63 : i32 to index
      %get3A_64 = tpu.vector_load %arg10[%get3A] {strides = array<i32>} : memref<8192xi32, #tpu.memory_space<vmem>>, vector<16xi32>,
      %mul3A_65 = arith.constant 2 : i32
      %mul3A_66 = arith.muli %scan3A_59, %mul3A_65 : i32
      %mul3A_67 = arith.constant 16 : i32
      %mul3A_68 = arith.muli %mul3A_66, %mul3A_67 : i32
      %add3A_69 = arith.constant 16 : i32
      %add3A_70 = arith.addi %mul3A_68, %add3A_69 : i32
      %get3A_71 = arith.index_cast %add3A_70 : i32 to index
      %get3A_72 = tpu.vector_load %arg10[%get3A_71] {strides = array<i32>} : memref<8192xi32, #tpu.memory_space<vmem>>, vector<16xi32>,
      %gather3A = tpu.vector_load_idx %arg7[%get3A_64] : memref<100000xf32, #tpu.memory_space<vmem>>[vector<16xi32>], vector<16xf32>,
      %gather3A_73 = tpu.vector_load_idx %arg7[%get3A_72] : memref<100000xf32, #tpu.memory_space<vmem>>[vector<16xi32>], vector<16xf32>,
      %pack3A = tpu.pack_subelements %gather3A, %gather3A_73 {pack_format = #tpu.pack_format<interleaved>, positions = array<i32: 0, 1>} : vector<16xf32>, vector<16xf32> -> vector<32xbf16>
      %mul3A_74 = arith.constant 2 : i32
      %mul3A_75 = arith.muli %scan3A_59, %mul3A_74 : i32
      %mul3A_76 = arith.constant 16 : i32
      %mul3A_77 = arith.muli %mul3A_75, %mul3A_76 : i32
      %add3A_78 = arith.constant 8192 : i32
      %add3A_79 = arith.addi %add3A_78, %mul3A_77 : i32
      %swap3A = arith.index_cast %add3A_79 : i32 to index
      %swap3A_80 = tpu.vector_load %arg8[%swap3A] {strides = array<i32>} : memref<16384xbf16, #tpu.memory_space<vmem>>, vector<32xbf16>,
      tpu.vector_store %arg8[%swap3A], %pack3A {strides = array<i32>} : memref<16384xbf16, #tpu.memory_space<vmem>>, vector<32xbf16>,
      %scan3A_81 = arith.constant 1 : i32
      %scan3A_82 = arith.addi %scan3A_59, %scan3A_81 : i32
      %mul3A_83 = arith.constant 2 : i32
      %mul3A_84 = arith.muli %scan3A_82, %mul3A_83 : i32
      %mul3A_85 = arith.constant 16 : i32
      %mul3A_86 = arith.muli %mul3A_84, %mul3A_85 : i32
      %get3A_87 = arith.index_cast %mul3A_86 : i32 to index
      %get3A_88 = tpu.vector_load %arg10[%get3A_87] {strides = array<i32>} : memref<8192xi32, #tpu.memory_space<vmem>>, vector<16xi32>,
      %mul3A_89 = arith.constant 2 : i32
      %mul3A_90 = arith.muli %scan3A_82, %mul3A_89 : i32
      %mul3A_91 = arith.constant 16 : i32
      %mul3A_92 = arith.muli %mul3A_90, %mul3A_91 : i32
      %add3A_93 = arith.constant 16 : i32
      %add3A_94 = arith.addi %mul3A_92, %add3A_93 : i32
      %get3A_95 = arith.index_cast %add3A_94 : i32 to index
      %get3A_96 = tpu.vector_load %arg10[%get3A_95] {strides = array<i32>} : memref<8192xi32, #tpu.memory_space<vmem>>, vector<16xi32>,
      %gather3A_97 = tpu.vector_load_idx %arg7[%get3A_88] : memref<100000xf32, #tpu.memory_space<vmem>>[vector<16xi32>], vector<16xf32>,
      %gather3A_98 = tpu.vector_load_idx %arg7[%get3A_96] : memref<100000xf32, #tpu.memory_space<vmem>>[vector<16xi32>], vector<16xf32>,
      %pack3A_99 = tpu.pack_subelements %gather3A_97, %gather3A_98 {pack_format = #tpu.pack_format<interleaved>, positions = array<i32: 0, 1>} : vector<16xf32>, vector<16xf32> -> vector<32xbf16>
      %mul3A_100 = arith.constant 2 : i32
      %mul3A_101 = arith.muli %scan3A_82, %mul3A_100 : i32
      %mul3A_102 = arith.constant 16 : i32
      %mul3A_103 = arith.muli %mul3A_101, %mul3A_102 : i32
      %add3A_104 = arith.constant 8192 : i32
      %add3A_105 = arith.addi %add3A_104, %mul3A_103 : i32
      %swap3A_106 = arith.index_cast %add3A_105 : i32 to index
      %swap3A_107 = tpu.vector_load %arg8[%swap3A_106] {strides = array<i32>} : memref<16384xbf16, #tpu.memory_space<vmem>>, vector<32xbf16>,
      tpu.vector_store %arg8[%swap3A_106], %pack3A_99 {strides = array<i32>} : memref<16384xbf16, #tpu.memory_space<vmem>>, vector<32xbf16>,
      %scan3A_108 = arith.constant 2 : i32
      %scan3A_109 = arith.addi %scan3A_59, %scan3A_108 : i32
      %mul3A_110 = arith.constant 2 : i32
      %mul3A_111 = arith.muli %scan3A_109, %mul3A_110 : i32
      %mul3A_112 = arith.constant 16 : i32
      %mul3A_113 = arith.muli %mul3A_111, %mul3A_112 : i32
      %get3A_114 = arith.index_cast %mul3A_113 : i32 to index
      %get3A_115 = tpu.vector_load %arg10[%get3A_114] {strides = array<i32>} : memref<8192xi32, #tpu.memory_space<vmem>>, vector<16xi32>,
      %mul3A_116 = arith.constant 2 : i32
      %mul3A_117 = arith.muli %scan3A_109, %mul3A_116 : i32
      %mul3A_118 = arith.constant 16 : i32
      %mul3A_119 = arith.muli %mul3A_117, %mul3A_118 : i32
      %add3A_120 = arith.constant 16 : i32
      %add3A_121 = arith.addi %mul3A_119, %add3A_120 : i32
      %get3A_122 = arith.index_cast %add3A_121 : i32 to index
      %get3A_123 = tpu.vector_load %arg10[%get3A_122] {strides = array<i32>} : memref<8192xi32, #tpu.memory_space<vmem>>, vector<16xi32>,
      %gather3A_124 = tpu.vector_load_idx %arg7[%get3A_115] : memref<100000xf32, #tpu.memory_space<vmem>>[vector<16xi32>], vector<16xf32>,
      %gather3A_125 = tpu.vector_load_idx %arg7[%get3A_123] : memref<100000xf32, #tpu.memory_space<vmem>>[vector<16xi32>], vector<16xf32>,
      %pack3A_126 = tpu.pack_subelements %gather3A_124, %gather3A_125 {pack_format = #tpu.pack_format<interleaved>, positions = array<i32: 0, 1>} : vector<16xf32>, vector<16xf32> -> vector<32xbf16>
      %mul3A_127 = arith.constant 2 : i32
      %mul3A_128 = arith.muli %scan3A_109, %mul3A_127 : i32
      %mul3A_129 = arith.constant 16 : i32
      %mul3A_130 = arith.muli %mul3A_128, %mul3A_129 : i32
      %add3A_131 = arith.constant 8192 : i32
      %add3A_132 = arith.addi %add3A_131, %mul3A_130 : i32
      %swap3A_133 = arith.index_cast %add3A_132 : i32 to index
      %swap3A_134 = tpu.vector_load %arg8[%swap3A_133] {strides = array<i32>} : memref<16384xbf16, #tpu.memory_space<vmem>>, vector<32xbf16>,
      tpu.vector_store %arg8[%swap3A_133], %pack3A_126 {strides = array<i32>} : memref<16384xbf16, #tpu.memory_space<vmem>>, vector<32xbf16>,
      %scan3A_135 = arith.constant 3 : i32
      %scan3A_136 = arith.addi %scan3A_59, %scan3A_135 : i32
      %mul3A_137 = arith.constant 2 : i32
      %mul3A_138 = arith.muli %scan3A_136, %mul3A_137 : i32
      %mul3A_139 = arith.constant 16 : i32
      %mul3A_140 = arith.muli %mul3A_138, %mul3A_139 : i32
      %get3A_141 = arith.index_cast %mul3A_140 : i32 to index
      %get3A_142 = tpu.vector_load %arg10[%get3A_141] {strides = array<i32>} : memref<8192xi32, #tpu.memory_space<vmem>>, vector<16xi32>,
      %mul3A_143 = arith.constant 2 : i32
      %mul3A_144 = arith.muli %scan3A_136, %mul3A_143 : i32
      %mul3A_145 = arith.constant 16 : i32
      %mul3A_146 = arith.muli %mul3A_144, %mul3A_145 : i32
      %add3A_147 = arith.constant 16 : i32
      %add3A_148 = arith.addi %mul3A_146, %add3A_147 : i32
      %get3A_149 = arith.index_cast %add3A_148 : i32 to index
      %get3A_150 = tpu.vector_load %arg10[%get3A_149] {strides = array<i32>} : memref<8192xi32, #tpu.memory_space<vmem>>, vector<16xi32>,
      %gather3A_151 = tpu.vector_load_idx %arg7[%get3A_142] : memref<100000xf32, #tpu.memory_space<vmem>>[vector<16xi32>], vector<16xf32>,
      %gather3A_152 = tpu.vector_load_idx %arg7[%get3A_150] : memref<100000xf32, #tpu.memory_space<vmem>>[vector<16xi32>], vector<16xf32>,
      %pack3A_153 = tpu.pack_subelements %gather3A_151, %gather3A_152 {pack_format = #tpu.pack_format<interleaved>, positions = array<i32: 0, 1>} : vector<16xf32>, vector<16xf32> -> vector<32xbf16>
      %mul3A_154 = arith.constant 2 : i32
      %mul3A_155 = arith.muli %scan3A_136, %mul3A_154 : i32
      %mul3A_156 = arith.constant 16 : i32
      %mul3A_157 = arith.muli %mul3A_155, %mul3A_156 : i32
      %add3A_158 = arith.constant 8192 : i32
      %add3A_159 = arith.addi %add3A_158, %mul3A_157 : i32
      %swap3A_160 = arith.index_cast %add3A_159 : i32 to index
      %swap3A_161 = tpu.vector_load %arg8[%swap3A_160] {strides = array<i32>} : memref<16384xbf16, #tpu.memory_space<vmem>>, vector<32xbf16>,
      tpu.vector_store %arg8[%swap3A_160], %pack3A_153 {strides = array<i32>} : memref<16384xbf16, #tpu.memory_space<vmem>>, vector<32xbf16>,
    }
    %scan3A_41 = arith.constant 256 : i32
    "tpu.region"() ({
      %run_scoped3A = tpu.sem_alloc : memref<!tpu.dma_semaphore, #tpu.memory_space<semaphore_mem>>
      %dma_start3A = arith.constant 0 : i32
      %dma_start3A_59 = tpu.memref_slice %arg5[%add3A_29, %dma_start3A] : memref<64x100000xf32, #tpu.memory_space<hbm>> -> memref<1x100000xf32, #tpu.memory_space<hbm>>
      %dma_start3A_60 = tpu.memref_squeeze %dma_start3A_59 : memref<1x100000xf32, #tpu.memory_space<hbm>> -> memref<100000xf32, #tpu.memory_space<hbm>>
      %dma_start3A_61 = arith.constant 0 : i32
      %dma_start3A_62 = tpu.memref_slice %arg5[%add3A_29, %dma_start3A_61] : memref<64x100000xf32, #tpu.memory_space<hbm>> -> memref<1x100000xf32, #tpu.memory_space<hbm>>
      %dma_start3A_63 = tpu.memref_squeeze %dma_start3A_62 : memref<1x100000xf32, #tpu.memory_space<hbm>> -> memref<100000xf32, #tpu.memory_space<hbm>>
      tpu.enqueue_dma source(%dma_start3A_63 : memref<100000xf32, #tpu.memory_space<hbm>>) target(%arg7 : memref<100000xf32, #tpu.memory_space<vmem>>) target_semaphore(%run_scoped3A : memref<!tpu.dma_semaphore, #tpu.memory_space<semaphore_mem>>)
      %dma_wait3A = arith.constant 0 : i32
      %dma_wait3A_64 = tpu.memref_slice %arg5[%add3A_29, %dma_wait3A] : memref<64x100000xf32, #tpu.memory_space<hbm>> -> memref<1x100000xf32, #tpu.memory_space<hbm>>
      %dma_wait3A_65 = tpu.memref_squeeze %dma_wait3A_64 : memref<1x100000xf32, #tpu.memory_space<hbm>> -> memref<100000xf32, #tpu.memory_space<hbm>>
      %dma_wait3A_66 = arith.constant 0 : i32
      %dma_wait3A_67 = tpu.memref_slice %arg5[%add3A_29, %dma_wait3A_66] : memref<64x100000xf32, #tpu.memory_space<hbm>> -> memref<1x100000xf32, #tpu.memory_space<hbm>>
      %dma_wait3A_68 = tpu.memref_squeeze %dma_wait3A_67 : memref<1x100000xf32, #tpu.memory_space<hbm>> -> memref<100000xf32, #tpu.memory_space<hbm>>
      tpu.wait_dma2 semaphore(%run_scoped3A : memref<!tpu.dma_semaphore, #tpu.memory_space<semaphore_mem>>) src(%dma_wait3A_68 : memref<100000xf32, #tpu.memory_space<hbm>>) dst(%arg7 : memref<100000xf32, #tpu.memory_space<vmem>>)
      tpu.yield
    }) : () -> ()
    "tpu.region"() ({
      %run_scoped3A = tpu.sem_alloc : memref<!tpu.dma_semaphore, #tpu.memory_space<semaphore_mem>>
      %dma_start3A = arith.constant 0 : i32
      %dma_start3A_59 = tpu.memref_slice %arg3[%dma_start3A] : memref<16384xi32, #tpu.memory_space<hbm>> -> memref<8192xi32, #tpu.memory_space<hbm>>
      %dma_start3A_60 = arith.constant 0 : i32
      %dma_start3A_61 = tpu.memref_slice %arg3[%dma_start3A_60] : memref<16384xi32, #tpu.memory_space<hbm>> -> memref<8192xi32, #tpu.memory_space<hbm>>
      tpu.enqueue_dma source(%dma_start3A_61 : memref<8192xi32, #tpu.memory_space<hbm>>) target(%arg10 : memref<8192xi32, #tpu.memory_space<vmem>>) target_semaphore(%run_scoped3A : memref<!tpu.dma_semaphore, #tpu.memory_space<semaphore_mem>>)
      %dma_wait3A = arith.constant 0 : i32
      %dma_wait3A_62 = tpu.memref_slice %arg3[%dma_wait3A] : memref<16384xi32, #tpu.memory_space<hbm>> -> memref<8192xi32, #tpu.memory_space<hbm>>
      %dma_wait3A_63 = arith.constant 0 : i32
      %dma_wait3A_64 = tpu.memref_slice %arg3[%dma_wait3A_63] : memref<16384xi32, #tpu.memory_space<hbm>> -> memref<8192xi32, #tpu.memory_space<hbm>>
      tpu.wait_dma2 semaphore(%run_scoped3A : memref<!tpu.dma_semaphore, #tpu.memory_space<semaphore_mem>>) src(%dma_wait3A_64 : memref<8192xi32, #tpu.memory_space<hbm>>) dst(%arg10 : memref<8192xi32, #tpu.memory_space<vmem>>)
      tpu.yield
    }) : () -> ()
    %scan3A_42 = arith.constant 0 : i32
    %scan3A_43 = arith.constant 0 : i32
    %scan3A_44 = arith.constant 256 : i32
    %scan3A_45 = arith.addi %scan3A_43, %scan3A_44 : i32
    %scan3A_46 = arith.constant 4 : i32
    scf.for %scan3A_59 = %scan3A_43 to %scan3A_45 step %scan3A_46  : i32 {
      %mul3A_60 = arith.constant 2 : i32
      %mul3A_61 = arith.muli %scan3A_59, %mul3A_60 : i32
      %mul3A_62 = arith.constant 16 : i32
      %mul3A_63 = arith.muli %mul3A_61, %mul3A_62 : i32
      %add3A_64 = arith.constant 0 : i32
      %add3A_65 = arith.addi %add3A_64, %mul3A_63 : i32
      %mul3A_66 = arith.constant 2 : i32
      %mul3A_67 = arith.muli %scan3A_59, %mul3A_66 : i32
      %mul3A_68 = arith.constant 16 : i32
      %mul3A_69 = arith.muli %mul3A_67, %mul3A_68 : i32
      %get3A = arith.index_cast %mul3A_69 : i32 to index
      %get3A_70 = tpu.vector_load %arg10[%get3A] {strides = array<i32>} : memref<8192xi32, #tpu.memory_space<vmem>>, vector<16xi32>,
      %mul3A_71 = arith.constant 2 : i32
      %mul3A_72 = arith.muli %scan3A_59, %mul3A_71 : i32
      %mul3A_73 = arith.constant 16 : i32
      %mul3A_74 = arith.muli %mul3A_72, %mul3A_73 : i32
      %add3A_75 = arith.constant 16 : i32
      %add3A_76 = arith.addi %mul3A_74, %add3A_75 : i32
      %get3A_77 = arith.index_cast %add3A_76 : i32 to index
      %get3A_78 = tpu.vector_load %arg10[%get3A_77] {strides = array<i32>} : memref<8192xi32, #tpu.memory_space<vmem>>, vector<16xi32>,
      %gather3A = tpu.vector_load_idx %arg7[%get3A_70] : memref<100000xf32, #tpu.memory_space<vmem>>[vector<16xi32>], vector<16xf32>,
      %gather3A_79 = tpu.vector_load_idx %arg7[%get3A_78] : memref<100000xf32, #tpu.memory_space<vmem>>[vector<16xi32>], vector<16xf32>,
      %get3A_80 = arith.index_cast %add3A_65 : i32 to index
      %get3A_81 = tpu.vector_load %arg8[%get3A_80] {strides = array<i32>} : memref<16384xbf16, #tpu.memory_space<vmem>>, vector<32xbf16>,
      %unpack3A = tpu.unpack_subelements %get3A_81, 0 {pack_format = #tpu.pack_format<interleaved>} : vector<32xbf16> -> vector<16xf32>
      %unpack3A_82 = tpu.unpack_subelements %get3A_81, 1 {pack_format = #tpu.pack_format<interleaved>} : vector<32xbf16> -> vector<16xf32>
      %mul3A_83 = arith.mulf %unpack3A, %gather3A : vector<16xf32>
      %mul3A_84 = arith.mulf %unpack3A_82, %gather3A_79 : vector<16xf32>
      %get3A_85 = arith.index_cast %add3A_65 : i32 to index
      %get3A_86 = tpu.vector_load %arg9[%get3A_85] {strides = array<i32>} : memref<16384xbf16, #tpu.memory_space<vmem>>, vector<32xbf16>,
      %unpack3A_87 = tpu.unpack_subelements %get3A_86, 0 {pack_format = #tpu.pack_format<interleaved>} : vector<32xbf16> -> vector<16xf32>
      %unpack3A_88 = tpu.unpack_subelements %get3A_86, 1 {pack_format = #tpu.pack_format<interleaved>} : vector<32xbf16> -> vector<16xf32>
      %add3A_89 = arith.addf %mul3A_83, %unpack3A_87 : vector<16xf32>
      %add3A_90 = arith.addf %mul3A_84, %unpack3A_88 : vector<16xf32>
      %pack3A = tpu.pack_subelements %add3A_89, %add3A_90 {pack_format = #tpu.pack_format<interleaved>, positions = array<i32: 0, 1>} : vector<16xf32>, vector<16xf32> -> vector<32xbf16>
      %swap3A = arith.index_cast %add3A_65 : i32 to index
      %swap3A_91 = tpu.vector_load %arg9[%swap3A] {strides = array<i32>} : memref<16384xbf16, #tpu.memory_space<vmem>>, vector<32xbf16>,
      tpu.vector_store %arg9[%swap3A], %pack3A {strides = array<i32>} : memref<16384xbf16, #tpu.memory_space<vmem>>, vector<32xbf16>,
      %scan3A_92 = arith.constant 1 : i32
      %scan3A_93 = arith.addi %scan3A_59, %scan3A_92 : i32
      %mul3A_94 = arith.constant 2 : i32
      %mul3A_95 = arith.muli %scan3A_93, %mul3A_94 : i32
      %mul3A_96 = arith.constant 16 : i32
      %mul3A_97 = arith.muli %mul3A_95, %mul3A_96 : i32
      %add3A_98 = arith.constant 0 : i32
      %add3A_99 = arith.addi %add3A_98, %mul3A_97 : i32
      %mul3A_100 = arith.constant 2 : i32
      %mul3A_101 = arith.muli %scan3A_93, %mul3A_100 : i32
      %mul3A_102 = arith.constant 16 : i32
      %mul3A_103 = arith.muli %mul3A_101, %mul3A_102 : i32
      %get3A_104 = arith.index_cast %mul3A_103 : i32 to index
      %get3A_105 = tpu.vector_load %arg10[%get3A_104] {strides = array<i32>} : memref<8192xi32, #tpu.memory_space<vmem>>, vector<16xi32>,
      %mul3A_106 = arith.constant 2 : i32
      %mul3A_107 = arith.muli %scan3A_93, %mul3A_106 : i32
      %mul3A_108 = arith.constant 16 : i32
      %mul3A_109 = arith.muli %mul3A_107, %mul3A_108 : i32
      %add3A_110 = arith.constant 16 : i32
      %add3A_111 = arith.addi %mul3A_109, %add3A_110 : i32
      %get3A_112 = arith.index_cast %add3A_111 : i32 to index
      %get3A_113 = tpu.vector_load %arg10[%get3A_112] {strides = array<i32>} : memref<8192xi32, #tpu.memory_space<vmem>>, vector<16xi32>,
      %gather3A_114 = tpu.vector_load_idx %arg7[%get3A_105] : memref<100000xf32, #tpu.memory_space<vmem>>[vector<16xi32>], vector<16xf32>,
      %gather3A_115 = tpu.vector_load_idx %arg7[%get3A_113] : memref<100000xf32, #tpu.memory_space<vmem>>[vector<16xi32>], vector<16xf32>,
      %get3A_116 = arith.index_cast %add3A_99 : i32 to index
      %get3A_117 = tpu.vector_load %arg8[%get3A_116] {strides = array<i32>} : memref<16384xbf16, #tpu.memory_space<vmem>>, vector<32xbf16>,
      %unpack3A_118 = tpu.unpack_subelements %get3A_117, 0 {pack_format = #tpu.pack_format<interleaved>} : vector<32xbf16> -> vector<16xf32>
      %unpack3A_119 = tpu.unpack_subelements %get3A_117, 1 {pack_format = #tpu.pack_format<interleaved>} : vector<32xbf16> -> vector<16xf32>
      %mul3A_120 = arith.mulf %unpack3A_118, %gather3A_114 : vector<16xf32>
      %mul3A_121 = arith.mulf %unpack3A_119, %gather3A_115 : vector<16xf32>
      %get3A_122 = arith.index_cast %add3A_99 : i32 to index
      %get3A_123 = tpu.vector_load %arg9[%get3A_122] {strides = array<i32>} : memref<16384xbf16, #tpu.memory_space<vmem>>, vector<32xbf16>,
      %unpack3A_124 = tpu.unpack_subelements %get3A_123, 0 {pack_format = #tpu.pack_format<interleaved>} : vector<32xbf16> -> vector<16xf32>
      %unpack3A_125 = tpu.unpack_subelements %get3A_123, 1 {pack_format = #tpu.pack_format<interleaved>} : vector<32xbf16> -> vector<16xf32>
      %add3A_126 = arith.addf %mul3A_120, %unpack3A_124 : vector<16xf32>
      %add3A_127 = arith.addf %mul3A_121, %unpack3A_125 : vector<16xf32>
      %pack3A_128 = tpu.pack_subelements %add3A_126, %add3A_127 {pack_format = #tpu.pack_format<interleaved>, positions = array<i32: 0, 1>} : vector<16xf32>, vector<16xf32> -> vector<32xbf16>
      %swap3A_129 = arith.index_cast %add3A_99 : i32 to index
      %swap3A_130 = tpu.vector_load %arg9[%swap3A_129] {strides = array<i32>} : memref<16384xbf16, #tpu.memory_space<vmem>>, vector<32xbf16>,
      tpu.vector_store %arg9[%swap3A_129], %pack3A_128 {strides = array<i32>} : memref<16384xbf16, #tpu.memory_space<vmem>>, vector<32xbf16>,
      %scan3A_131 = arith.constant 2 : i32
      %scan3A_132 = arith.addi %scan3A_59, %scan3A_131 : i32
      %mul3A_133 = arith.constant 2 : i32
      %mul3A_134 = arith.muli %scan3A_132, %mul3A_133 : i32
      %mul3A_135 = arith.constant 16 : i32
      %mul3A_136 = arith.muli %mul3A_134, %mul3A_135 : i32
      %add3A_137 = arith.constant 0 : i32
      %add3A_138 = arith.addi %add3A_137, %mul3A_136 : i32
      %mul3A_139 = arith.constant 2 : i32
      %mul3A_140 = arith.muli %scan3A_132, %mul3A_139 : i32
      %mul3A_141 = arith.constant 16 : i32
      %mul3A_142 = arith.muli %mul3A_140, %mul3A_141 : i32
      %get3A_143 = arith.index_cast %mul3A_142 : i32 to index
      %get3A_144 = tpu.vector_load %arg10[%get3A_143] {strides = array<i32>} : memref<8192xi32, #tpu.memory_space<vmem>>, vector<16xi32>,
      %mul3A_145 = arith.constant 2 : i32
      %mul3A_146 = arith.muli %scan3A_132, %mul3A_145 : i32
      %mul3A_147 = arith.constant 16 : i32
      %mul3A_148 = arith.muli %mul3A_146, %mul3A_147 : i32
      %add3A_149 = arith.constant 16 : i32
      %add3A_150 = arith.addi %mul3A_148, %add3A_149 : i32
      %get3A_151 = arith.index_cast %add3A_150 : i32 to index
      %get3A_152 = tpu.vector_load %arg10[%get3A_151] {strides = array<i32>} : memref<8192xi32, #tpu.memory_space<vmem>>, vector<16xi32>,
      %gather3A_153 = tpu.vector_load_idx %arg7[%get3A_144] : memref<100000xf32, #tpu.memory_space<vmem>>[vector<16xi32>], vector<16xf32>,
      %gather3A_154 = tpu.vector_load_idx %arg7[%get3A_152] : memref<100000xf32, #tpu.memory_space<vmem>>[vector<16xi32>], vector<16xf32>,
      %get3A_155 = arith.index_cast %add3A_138 : i32 to index
      %get3A_156 = tpu.vector_load %arg8[%get3A_155] {strides = array<i32>} : memref<16384xbf16, #tpu.memory_space<vmem>>, vector<32xbf16>,
      %unpack3A_157 = tpu.unpack_subelements %get3A_156, 0 {pack_format = #tpu.pack_format<interleaved>} : vector<32xbf16> -> vector<16xf32>
      %unpack3A_158 = tpu.unpack_subelements %get3A_156, 1 {pack_format = #tpu.pack_format<interleaved>} : vector<32xbf16> -> vector<16xf32>
      %mul3A_159 = arith.mulf %unpack3A_157, %gather3A_153 : vector<16xf32>
      %mul3A_160 = arith.mulf %unpack3A_158, %gather3A_154 : vector<16xf32>
      %get3A_161 = arith.index_cast %add3A_138 : i32 to index
      %get3A_162 = tpu.vector_load %arg9[%get3A_161] {strides = array<i32>} : memref<16384xbf16, #tpu.memory_space<vmem>>, vector<32xbf16>,
      %unpack3A_163 = tpu.unpack_subelements %get3A_162, 0 {pack_format = #tpu.pack_format<interleaved>} : vector<32xbf16> -> vector<16xf32>
      %unpack3A_164 = tpu.unpack_subelements %get3A_162, 1 {pack_format = #tpu.pack_format<interleaved>} : vector<32xbf16> -> vector<16xf32>
      %add3A_165 = arith.addf %mul3A_159, %unpack3A_163 : vector<16xf32>
      %add3A_166 = arith.addf %mul3A_160, %unpack3A_164 : vector<16xf32>
      %pack3A_167 = tpu.pack_subelements %add3A_165, %add3A_166 {pack_format = #tpu.pack_format<interleaved>, positions = array<i32: 0, 1>} : vector<16xf32>, vector<16xf32> -> vector<32xbf16>
      %swap3A_168 = arith.index_cast %add3A_138 : i32 to index
      %swap3A_169 = tpu.vector_load %arg9[%swap3A_168] {strides = array<i32>} : memref<16384xbf16, #tpu.memory_space<vmem>>, vector<32xbf16>,
      tpu.vector_store %arg9[%swap3A_168], %pack3A_167 {strides = array<i32>} : memref<16384xbf16, #tpu.memory_space<vmem>>, vector<32xbf16>,
      %scan3A_170 = arith.constant 3 : i32
      %scan3A_171 = arith.addi %scan3A_59, %scan3A_170 : i32
      %mul3A_172 = arith.constant 2 : i32
      %mul3A_173 = arith.muli %scan3A_171, %mul3A_172 : i32
      %mul3A_174 = arith.constant 16 : i32
      %mul3A_175 = arith.muli %mul3A_173, %mul3A_174 : i32
      %add3A_176 = arith.constant 0 : i32
      %add3A_177 = arith.addi %add3A_176, %mul3A_175 : i32
      %mul3A_178 = arith.constant 2 : i32
      %mul3A_179 = arith.muli %scan3A_171, %mul3A_178 : i32
      %mul3A_180 = arith.constant 16 : i32
      %mul3A_181 = arith.muli %mul3A_179, %mul3A_180 : i32
      %get3A_182 = arith.index_cast %mul3A_181 : i32 to index
      %get3A_183 = tpu.vector_load %arg10[%get3A_182] {strides = array<i32>} : memref<8192xi32, #tpu.memory_space<vmem>>, vector<16xi32>,
      %mul3A_184 = arith.constant 2 : i32
      %mul3A_185 = arith.muli %scan3A_171, %mul3A_184 : i32
      %mul3A_186 = arith.constant 16 : i32
      %mul3A_187 = arith.muli %mul3A_185, %mul3A_186 : i32
      %add3A_188 = arith.constant 16 : i32
      %add3A_189 = arith.addi %mul3A_187, %add3A_188 : i32
      %get3A_190 = arith.index_cast %add3A_189 : i32 to index
      %get3A_191 = tpu.vector_load %arg10[%get3A_190] {strides = array<i32>} : memref<8192xi32, #tpu.memory_space<vmem>>, vector<16xi32>,
      %gather3A_192 = tpu.vector_load_idx %arg7[%get3A_183] : memref<100000xf32, #tpu.memory_space<vmem>>[vector<16xi32>], vector<16xf32>,
      %gather3A_193 = tpu.vector_load_idx %arg7[%get3A_191] : memref<100000xf32, #tpu.memory_space<vmem>>[vector<16xi32>], vector<16xf32>,
      %get3A_194 = arith.index_cast %add3A_177 : i32 to index
      %get3A_195 = tpu.vector_load %arg8[%get3A_194] {strides = array<i32>} : memref<16384xbf16, #tpu.memory_space<vmem>>, vector<32xbf16>,
      %unpack3A_196 = tpu.unpack_subelements %get3A_195, 0 {pack_format = #tpu.pack_format<interleaved>} : vector<32xbf16> -> vector<16xf32>
      %unpack3A_197 = tpu.unpack_subelements %get3A_195, 1 {pack_format = #tpu.pack_format<interleaved>} : vector<32xbf16> -> vector<16xf32>
      %mul3A_198 = arith.mulf %unpack3A_196, %gather3A_192 : vector<16xf32>
      %mul3A_199 = arith.mulf %unpack3A_197, %gather3A_193 : vector<16xf32>
      %get3A_200 = arith.index_cast %add3A_177 : i32 to index
      %get3A_201 = tpu.vector_load %arg9[%get3A_200] {strides = array<i32>} : memref<16384xbf16, #tpu.memory_space<vmem>>, vector<32xbf16>,
      %unpack3A_202 = tpu.unpack_subelements %get3A_201, 0 {pack_format = #tpu.pack_format<interleaved>} : vector<32xbf16> -> vector<16xf32>
      %unpack3A_203 = tpu.unpack_subelements %get3A_201, 1 {pack_format = #tpu.pack_format<interleaved>} : vector<32xbf16> -> vector<16xf32>
      %add3A_204 = arith.addf %mul3A_198, %unpack3A_202 : vector<16xf32>
      %add3A_205 = arith.addf %mul3A_199, %unpack3A_203 : vector<16xf32>
      %pack3A_206 = tpu.pack_subelements %add3A_204, %add3A_205 {pack_format = #tpu.pack_format<interleaved>, positions = array<i32: 0, 1>} : vector<16xf32>, vector<16xf32> -> vector<32xbf16>
      %swap3A_207 = arith.index_cast %add3A_177 : i32 to index
      %swap3A_208 = tpu.vector_load %arg9[%swap3A_207] {strides = array<i32>} : memref<16384xbf16, #tpu.memory_space<vmem>>, vector<32xbf16>,
      tpu.vector_store %arg9[%swap3A_207], %pack3A_206 {strides = array<i32>} : memref<16384xbf16, #tpu.memory_space<vmem>>, vector<32xbf16>,
    }
    %scan3A_47 = arith.constant 256 : i32
    "tpu.region"() ({
      %run_scoped3A = tpu.sem_alloc : memref<!tpu.dma_semaphore, #tpu.memory_space<semaphore_mem>>
      %dma_start3A = arith.constant 8192 : i32
      %dma_start3A_59 = tpu.memref_slice %arg3[%dma_start3A] : memref<16384xi32, #tpu.memory_space<hbm>> -> memref<8192xi32, #tpu.memory_space<hbm>>
      %dma_start3A_60 = arith.constant 8192 : i32
      %dma_start3A_61 = tpu.memref_slice %arg3[%dma_start3A_60] : memref<16384xi32, #tpu.memory_space<hbm>> -> memref<8192xi32, #tpu.memory_space<hbm>>
      tpu.enqueue_dma source(%dma_start3A_61 : memref<8192xi32, #tpu.memory_space<hbm>>) target(%arg10 : memref<8192xi32, #tpu.memory_space<vmem>>) target_semaphore(%run_scoped3A : memref<!tpu.dma_semaphore, #tpu.memory_space<semaphore_mem>>)
      %dma_wait3A = arith.constant 8192 : i32
      %dma_wait3A_62 = tpu.memref_slice %arg3[%dma_wait3A] : memref<16384xi32, #tpu.memory_space<hbm>> -> memref<8192xi32, #tpu.memory_space<hbm>>
      %dma_wait3A_63 = arith.constant 8192 : i32
      %dma_wait3A_64 = tpu.memref_slice %arg3[%dma_wait3A_63] : memref<16384xi32, #tpu.memory_space<hbm>> -> memref<8192xi32, #tpu.memory_space<hbm>>
      tpu.wait_dma2 semaphore(%run_scoped3A : memref<!tpu.dma_semaphore, #tpu.memory_space<semaphore_mem>>) src(%dma_wait3A_64 : memref<8192xi32, #tpu.memory_space<hbm>>) dst(%arg10 : memref<8192xi32, #tpu.memory_space<vmem>>)
      tpu.yield
    }) : () -> ()
    %scan3A_48 = arith.constant 0 : i32
    %scan3A_49 = arith.constant 0 : i32
    %scan3A_50 = arith.constant 256 : i32
    %scan3A_51 = arith.addi %scan3A_49, %scan3A_50 : i32
    %scan3A_52 = arith.constant 4 : i32
    scf.for %scan3A_59 = %scan3A_49 to %scan3A_51 step %scan3A_52  : i32 {
      %mul3A_60 = arith.constant 2 : i32
      %mul3A_61 = arith.muli %scan3A_59, %mul3A_60 : i32
      %mul3A_62 = arith.constant 16 : i32
      %mul3A_63 = arith.muli %mul3A_61, %mul3A_62 : i32
      %add3A_64 = arith.constant 8192 : i32
      %add3A_65 = arith.addi %add3A_64, %mul3A_63 : i32
      %mul3A_66 = arith.constant 2 : i32
      %mul3A_67 = arith.muli %scan3A_59, %mul3A_66 : i32
      %mul3A_68 = arith.constant 16 : i32
      %mul3A_69 = arith.muli %mul3A_67, %mul3A_68 : i32
      %get3A = arith.index_cast %mul3A_69 : i32 to index
      %get3A_70 = tpu.vector_load %arg10[%get3A] {strides = array<i32>} : memref<8192xi32, #tpu.memory_space<vmem>>, vector<16xi32>,
      %mul3A_71 = arith.constant 2 : i32
      %mul3A_72 = arith.muli %scan3A_59, %mul3A_71 : i32
      %mul3A_73 = arith.constant 16 : i32
      %mul3A_74 = arith.muli %mul3A_72, %mul3A_73 : i32
      %add3A_75 = arith.constant 16 : i32
      %add3A_76 = arith.addi %mul3A_74, %add3A_75 : i32
      %get3A_77 = arith.index_cast %add3A_76 : i32 to index
      %get3A_78 = tpu.vector_load %arg10[%get3A_77] {strides = array<i32>} : memref<8192xi32, #tpu.memory_space<vmem>>, vector<16xi32>,
      %gather3A = tpu.vector_load_idx %arg7[%get3A_70] : memref<100000xf32, #tpu.memory_space<vmem>>[vector<16xi32>], vector<16xf32>,
      %gather3A_79 = tpu.vector_load_idx %arg7[%get3A_78] : memref<100000xf32, #tpu.memory_space<vmem>>[vector<16xi32>], vector<16xf32>,
      %get3A_80 = arith.index_cast %add3A_65 : i32 to index
      %get3A_81 = tpu.vector_load %arg8[%get3A_80] {strides = array<i32>} : memref<16384xbf16, #tpu.memory_space<vmem>>, vector<32xbf16>,
      %unpack3A = tpu.unpack_subelements %get3A_81, 0 {pack_format = #tpu.pack_format<interleaved>} : vector<32xbf16> -> vector<16xf32>
      %unpack3A_82 = tpu.unpack_subelements %get3A_81, 1 {pack_format = #tpu.pack_format<interleaved>} : vector<32xbf16> -> vector<16xf32>
      %mul3A_83 = arith.mulf %unpack3A, %gather3A : vector<16xf32>
      %mul3A_84 = arith.mulf %unpack3A_82, %gather3A_79 : vector<16xf32>
      %get3A_85 = arith.index_cast %add3A_65 : i32 to index
      %get3A_86 = tpu.vector_load %arg9[%get3A_85] {strides = array<i32>} : memref<16384xbf16, #tpu.memory_space<vmem>>, vector<32xbf16>,
      %unpack3A_87 = tpu.unpack_subelements %get3A_86, 0 {pack_format = #tpu.pack_format<interleaved>} : vector<32xbf16> -> vector<16xf32>
      %unpack3A_88 = tpu.unpack_subelements %get3A_86, 1 {pack_format = #tpu.pack_format<interleaved>} : vector<32xbf16> -> vector<16xf32>
      %add3A_89 = arith.addf %mul3A_83, %unpack3A_87 : vector<16xf32>
      %add3A_90 = arith.addf %mul3A_84, %unpack3A_88 : vector<16xf32>
      %pack3A = tpu.pack_subelements %add3A_89, %add3A_90 {pack_format = #tpu.pack_format<interleaved>, positions = array<i32: 0, 1>} : vector<16xf32>, vector<16xf32> -> vector<32xbf16>
      %swap3A = arith.index_cast %add3A_65 : i32 to index
      %swap3A_91 = tpu.vector_load %arg9[%swap3A] {strides = array<i32>} : memref<16384xbf16, #tpu.memory_space<vmem>>, vector<32xbf16>,
      tpu.vector_store %arg9[%swap3A], %pack3A {strides = array<i32>} : memref<16384xbf16, #tpu.memory_space<vmem>>, vector<32xbf16>,
      %scan3A_92 = arith.constant 1 : i32
      %scan3A_93 = arith.addi %scan3A_59, %scan3A_92 : i32
      %mul3A_94 = arith.constant 2 : i32
      %mul3A_95 = arith.muli %scan3A_93, %mul3A_94 : i32
      %mul3A_96 = arith.constant 16 : i32
      %mul3A_97 = arith.muli %mul3A_95, %mul3A_96 : i32
      %add3A_98 = arith.constant 8192 : i32
      %add3A_99 = arith.addi %add3A_98, %mul3A_97 : i32
      %mul3A_100 = arith.constant 2 : i32
      %mul3A_101 = arith.muli %scan3A_93, %mul3A_100 : i32
      %mul3A_102 = arith.constant 16 : i32
      %mul3A_103 = arith.muli %mul3A_101, %mul3A_102 : i32
      %get3A_104 = arith.index_cast %mul3A_103 : i32 to index
      %get3A_105 = tpu.vector_load %arg10[%get3A_104] {strides = array<i32>} : memref<8192xi32, #tpu.memory_space<vmem>>, vector<16xi32>,
      %mul3A_106 = arith.constant 2 : i32
      %mul3A_107 = arith.muli %scan3A_93, %mul3A_106 : i32
      %mul3A_108 = arith.constant 16 : i32
      %mul3A_109 = arith.muli %mul3A_107, %mul3A_108 : i32
      %add3A_110 = arith.constant 16 : i32
      %add3A_111 = arith.addi %mul3A_109, %add3A_110 : i32
      %get3A_112 = arith.index_cast %add3A_111 : i32 to index
      %get3A_113 = tpu.vector_load %arg10[%get3A_112] {strides = array<i32>} : memref<8192xi32, #tpu.memory_space<vmem>>, vector<16xi32>,
      %gather3A_114 = tpu.vector_load_idx %arg7[%get3A_105] : memref<100000xf32, #tpu.memory_space<vmem>>[vector<16xi32>], vector<16xf32>,
      %gather3A_115 = tpu.vector_load_idx %arg7[%get3A_113] : memref<100000xf32, #tpu.memory_space<vmem>>[vector<16xi32>], vector<16xf32>,
      %get3A_116 = arith.index_cast %add3A_99 : i32 to index
      %get3A_117 = tpu.vector_load %arg8[%get3A_116] {strides = array<i32>} : memref<16384xbf16, #tpu.memory_space<vmem>>, vector<32xbf16>,
      %unpack3A_118 = tpu.unpack_subelements %get3A_117, 0 {pack_format = #tpu.pack_format<interleaved>} : vector<32xbf16> -> vector<16xf32>
      %unpack3A_119 = tpu.unpack_subelements %get3A_117, 1 {pack_format = #tpu.pack_format<interleaved>} : vector<32xbf16> -> vector<16xf32>
      %mul3A_120 = arith.mulf %unpack3A_118, %gather3A_114 : vector<16xf32>
      %mul3A_121 = arith.mulf %unpack3A_119, %gather3A_115 : vector<16xf32>
      %get3A_122 = arith.index_cast %add3A_99 : i32 to index
      %get3A_123 = tpu.vector_load %arg9[%get3A_122] {strides = array<i32>} : memref<16384xbf16, #tpu.memory_space<vmem>>, vector<32xbf16>,
      %unpack3A_124 = tpu.unpack_subelements %get3A_123, 0 {pack_format = #tpu.pack_format<interleaved>} : vector<32xbf16> -> vector<16xf32>
      %unpack3A_125 = tpu.unpack_subelements %get3A_123, 1 {pack_format = #tpu.pack_format<interleaved>} : vector<32xbf16> -> vector<16xf32>
      %add3A_126 = arith.addf %mul3A_120, %unpack3A_124 : vector<16xf32>
      %add3A_127 = arith.addf %mul3A_121, %unpack3A_125 : vector<16xf32>
      %pack3A_128 = tpu.pack_subelements %add3A_126, %add3A_127 {pack_format = #tpu.pack_format<interleaved>, positions = array<i32: 0, 1>} : vector<16xf32>, vector<16xf32> -> vector<32xbf16>
      %swap3A_129 = arith.index_cast %add3A_99 : i32 to index
      %swap3A_130 = tpu.vector_load %arg9[%swap3A_129] {strides = array<i32>} : memref<16384xbf16, #tpu.memory_space<vmem>>, vector<32xbf16>,
      tpu.vector_store %arg9[%swap3A_129], %pack3A_128 {strides = array<i32>} : memref<16384xbf16, #tpu.memory_space<vmem>>, vector<32xbf16>,
      %scan3A_131 = arith.constant 2 : i32
      %scan3A_132 = arith.addi %scan3A_59, %scan3A_131 : i32
      %mul3A_133 = arith.constant 2 : i32
      %mul3A_134 = arith.muli %scan3A_132, %mul3A_133 : i32
      %mul3A_135 = arith.constant 16 : i32
      %mul3A_136 = arith.muli %mul3A_134, %mul3A_135 : i32
      %add3A_137 = arith.constant 8192 : i32
      %add3A_138 = arith.addi %add3A_137, %mul3A_136 : i32
      %mul3A_139 = arith.constant 2 : i32
      %mul3A_140 = arith.muli %scan3A_132, %mul3A_139 : i32
      %mul3A_141 = arith.constant 16 : i32
      %mul3A_142 = arith.muli %mul3A_140, %mul3A_141 : i32
      %get3A_143 = arith.index_cast %mul3A_142 : i32 to index
      %get3A_144 = tpu.vector_load %arg10[%get3A_143] {strides = array<i32>} : memref<8192xi32, #tpu.memory_space<vmem>>, vector<16xi32>,
      %mul3A_145 = arith.constant 2 : i32
      %mul3A_146 = arith.muli %scan3A_132, %mul3A_145 : i32
      %mul3A_147 = arith.constant 16 : i32
      %mul3A_148 = arith.muli %mul3A_146, %mul3A_147 : i32
      %add3A_149 = arith.constant 16 : i32
      %add3A_150 = arith.addi %mul3A_148, %add3A_149 : i32
      %get3A_151 = arith.index_cast %add3A_150 : i32 to index
      %get3A_152 = tpu.vector_load %arg10[%get3A_151] {strides = array<i32>} : memref<8192xi32, #tpu.memory_space<vmem>>, vector<16xi32>,
      %gather3A_153 = tpu.vector_load_idx %arg7[%get3A_144] : memref<100000xf32, #tpu.memory_space<vmem>>[vector<16xi32>], vector<16xf32>,
      %gather3A_154 = tpu.vector_load_idx %arg7[%get3A_152] : memref<100000xf32, #tpu.memory_space<vmem>>[vector<16xi32>], vector<16xf32>,
      %get3A_155 = arith.index_cast %add3A_138 : i32 to index
      %get3A_156 = tpu.vector_load %arg8[%get3A_155] {strides = array<i32>} : memref<16384xbf16, #tpu.memory_space<vmem>>, vector<32xbf16>,
      %unpack3A_157 = tpu.unpack_subelements %get3A_156, 0 {pack_format = #tpu.pack_format<interleaved>} : vector<32xbf16> -> vector<16xf32>
      %unpack3A_158 = tpu.unpack_subelements %get3A_156, 1 {pack_format = #tpu.pack_format<interleaved>} : vector<32xbf16> -> vector<16xf32>
      %mul3A_159 = arith.mulf %unpack3A_157, %gather3A_153 : vector<16xf32>
      %mul3A_160 = arith.mulf %unpack3A_158, %gather3A_154 : vector<16xf32>
      %get3A_161 = arith.index_cast %add3A_138 : i32 to index
      %get3A_162 = tpu.vector_load %arg9[%get3A_161] {strides = array<i32>} : memref<16384xbf16, #tpu.memory_space<vmem>>, vector<32xbf16>,
      %unpack3A_163 = tpu.unpack_subelements %get3A_162, 0 {pack_format = #tpu.pack_format<interleaved>} : vector<32xbf16> -> vector<16xf32>
      %unpack3A_164 = tpu.unpack_subelements %get3A_162, 1 {pack_format = #tpu.pack_format<interleaved>} : vector<32xbf16> -> vector<16xf32>
      %add3A_165 = arith.addf %mul3A_159, %unpack3A_163 : vector<16xf32>
      %add3A_166 = arith.addf %mul3A_160, %unpack3A_164 : vector<16xf32>
      %pack3A_167 = tpu.pack_subelements %add3A_165, %add3A_166 {pack_format = #tpu.pack_format<interleaved>, positions = array<i32: 0, 1>} : vector<16xf32>, vector<16xf32> -> vector<32xbf16>
      %swap3A_168 = arith.index_cast %add3A_138 : i32 to index
      %swap3A_169 = tpu.vector_load %arg9[%swap3A_168] {strides = array<i32>} : memref<16384xbf16, #tpu.memory_space<vmem>>, vector<32xbf16>,
      tpu.vector_store %arg9[%swap3A_168], %pack3A_167 {strides = array<i32>} : memref<16384xbf16, #tpu.memory_space<vmem>>, vector<32xbf16>,
      %scan3A_170 = arith.constant 3 : i32
      %scan3A_171 = arith.addi %scan3A_59, %scan3A_170 : i32
      %mul3A_172 = arith.constant 2 : i32
      %mul3A_173 = arith.muli %scan3A_171, %mul3A_172 : i32
      %mul3A_174 = arith.constant 16 : i32
      %mul3A_175 = arith.muli %mul3A_173, %mul3A_174 : i32
      %add3A_176 = arith.constant 8192 : i32
      %add3A_177 = arith.addi %add3A_176, %mul3A_175 : i32
      %mul3A_178 = arith.constant 2 : i32
      %mul3A_179 = arith.muli %scan3A_171, %mul3A_178 : i32
      %mul3A_180 = arith.constant 16 : i32
      %mul3A_181 = arith.muli %mul3A_179, %mul3A_180 : i32
      %get3A_182 = arith.index_cast %mul3A_181 : i32 to index
      %get3A_183 = tpu.vector_load %arg10[%get3A_182] {strides = array<i32>} : memref<8192xi32, #tpu.memory_space<vmem>>, vector<16xi32>,
      %mul3A_184 = arith.constant 2 : i32
      %mul3A_185 = arith.muli %scan3A_171, %mul3A_184 : i32
      %mul3A_186 = arith.constant 16 : i32
      %mul3A_187 = arith.muli %mul3A_185, %mul3A_186 : i32
      %add3A_188 = arith.constant 16 : i32
      %add3A_189 = arith.addi %mul3A_187, %add3A_188 : i32
      %get3A_190 = arith.index_cast %add3A_189 : i32 to index
      %get3A_191 = tpu.vector_load %arg10[%get3A_190] {strides = array<i32>} : memref<8192xi32, #tpu.memory_space<vmem>>, vector<16xi32>,
      %gather3A_192 = tpu.vector_load_idx %arg7[%get3A_183] : memref<100000xf32, #tpu.memory_space<vmem>>[vector<16xi32>], vector<16xf32>,
      %gather3A_193 = tpu.vector_load_idx %arg7[%get3A_191] : memref<100000xf32, #tpu.memory_space<vmem>>[vector<16xi32>], vector<16xf32>,
      %get3A_194 = arith.index_cast %add3A_177 : i32 to index
      %get3A_195 = tpu.vector_load %arg8[%get3A_194] {strides = array<i32>} : memref<16384xbf16, #tpu.memory_space<vmem>>, vector<32xbf16>,
      %unpack3A_196 = tpu.unpack_subelements %get3A_195, 0 {pack_format = #tpu.pack_format<interleaved>} : vector<32xbf16> -> vector<16xf32>
      %unpack3A_197 = tpu.unpack_subelements %get3A_195, 1 {pack_format = #tpu.pack_format<interleaved>} : vector<32xbf16> -> vector<16xf32>
      %mul3A_198 = arith.mulf %unpack3A_196, %gather3A_192 : vector<16xf32>
      %mul3A_199 = arith.mulf %unpack3A_197, %gather3A_193 : vector<16xf32>
      %get3A_200 = arith.index_cast %add3A_177 : i32 to index
      %get3A_201 = tpu.vector_load %arg9[%get3A_200] {strides = array<i32>} : memref<16384xbf16, #tpu.memory_space<vmem>>, vector<32xbf16>,
      %unpack3A_202 = tpu.unpack_subelements %get3A_201, 0 {pack_format = #tpu.pack_format<interleaved>} : vector<32xbf16> -> vector<16xf32>
      %unpack3A_203 = tpu.unpack_subelements %get3A_201, 1 {pack_format = #tpu.pack_format<interleaved>} : vector<32xbf16> -> vector<16xf32>
      %add3A_204 = arith.addf %mul3A_198, %unpack3A_202 : vector<16xf32>
      %add3A_205 = arith.addf %mul3A_199, %unpack3A_203 : vector<16xf32>
      %pack3A_206 = tpu.pack_subelements %add3A_204, %add3A_205 {pack_format = #tpu.pack_format<interleaved>, positions = array<i32: 0, 1>} : vector<16xf32>, vector<16xf32> -> vector<32xbf16>
      %swap3A_207 = arith.index_cast %add3A_177 : i32 to index
      %swap3A_208 = tpu.vector_load %arg9[%swap3A_207] {strides = array<i32>} : memref<16384xbf16, #tpu.memory_space<vmem>>, vector<32xbf16>,
      tpu.vector_store %arg9[%swap3A_207], %pack3A_206 {strides = array<i32>} : memref<16384xbf16, #tpu.memory_space<vmem>>, vector<32xbf16>,
    }
    %scan3A_53 = arith.constant 256 : i32
    %mul3A_54 = arith.constant 16 : i32
    %mul3A_55 = arith.muli %arg0, %mul3A_54 : i32
    %add3A_56 = arith.addi %mul3A_55, %arg1 : i32
    %mul3A_57 = arith.constant 16384 : i32
    %mul3A_58 = arith.muli %add3A_56, %mul3A_57 : i32
    "tpu.region"() ({
      %run_scoped3A = tpu.sem_alloc : memref<!tpu.dma_semaphore, #tpu.memory_space<semaphore_mem>>
      %dma_start3A = tpu.memref_slice %arg6[%mul3A_58] : memref<524288xbf16, #tpu.memory_space<hbm>> -> memref<16384xbf16, #tpu.memory_space<hbm>>
      %dma_start3A_59 = tpu.memref_slice %arg6[%mul3A_58] : memref<524288xbf16, #tpu.memory_space<hbm>> -> memref<16384xbf16, #tpu.memory_space<hbm>>
      tpu.enqueue_dma source(%arg9 : memref<16384xbf16, #tpu.memory_space<vmem>>) target(%dma_start3A_59 : memref<16384xbf16, #tpu.memory_space<hbm>>) target_semaphore(%run_scoped3A : memref<!tpu.dma_semaphore, #tpu.memory_space<semaphore_mem>>)
      %dma_wait3A = tpu.memref_slice %arg6[%mul3A_58] : memref<524288xbf16, #tpu.memory_space<hbm>> -> memref<16384xbf16, #tpu.memory_space<hbm>>
      %dma_wait3A_60 = tpu.memref_slice %arg6[%mul3A_58] : memref<524288xbf16, #tpu.memory_space<hbm>> -> memref<16384xbf16, #tpu.memory_space<hbm>>
      tpu.wait_dma2 semaphore(%run_scoped3A : memref<!tpu.dma_semaphore, #tpu.memory_space<semaphore_mem>>) src(%arg9 : memref<16384xbf16, #tpu.memory_space<vmem>>) dst(%dma_wait3A_60 : memref<16384xbf16, #tpu.memory_space<hbm>>)
      tpu.yield
    }) : () -> ()
    return
  }
}

module attributes {stable_mosaic.version = 14 : i64} {
  func.func @body(%arg0: memref<524288xbf16, #tpu.memory_space<vmem>>, %arg1: memref<16384xf32, #tpu.memory_space<vmem>>) attributes {dimension_semantics = [], scalar_prefetch = 0 : i64, scratch_operands = 0 : i64, tpu.core_type = #tpu.core_type<tc>} {
    %get3A = arith.constant 0 : index
    %get3A_0 = vector.load %arg0[%get3A] : memref<524288xbf16, #tpu.memory_space<vmem>>, vector<524288xbf16>
    %reshape3A = vector.shape_cast %get3A_0 : vector<524288xbf16> to vector<32x16384xbf16>
    %convert_element_type3A = arith.extf %reshape3A : vector<32x16384xbf16> to vector<32x16384xf32>
    %reduce_sum3A = arith.constant dense<0.000000e+00> : vector<16384xf32>
    %reduce_sum3A_1 = vector.multi_reduction <add>, %convert_element_type3A, %reduce_sum3A [0] : vector<32x16384xf32> to vector<16384xf32>
    %swap3A = arith.constant 0 : index
    %swap3A_2 = vector.load %arg1[%swap3A] : memref<16384xf32, #tpu.memory_space<vmem>>, vector<16384xf32>
    tpu.vector_store %arg1[%swap3A], %reduce_sum3A_1 {strides = array<i32>} : memref<16384xf32, #tpu.memory_space<vmem>>, vector<16384xf32>,
    return
  }
}

</mosaic_0001>

<sc_bundles>
// kernel: kernel.4.cloned.1.call-start
scs
__scs_entry_jumppad:
0x0: {  	(pc) =	sbr.rel $0x88, $3  }
0x1: {  	(tag) =	ssettag $0x0;
	lr =	simm.s32 $0x1  }
0x2: {  	[smem:$0x3F9E] =	sst lr;
	_ =	strace $0xD0000000  }
0x3: {  	_ = 	snop  }
0x4: {  	_ = 	snop  }
0x5: {  	_ = 	snop  }
0x6: {  	_ = 	snop  }
0x7: {  	_ = 	snop  }
__scs_overlays_trampoline_lowered:
0x8: {  	[smem:$0x3FAD] =	sst s0  }
0x9: {  	[smem:$0x3FAE] =	sst s1  }
0xa: {  	[smem:$0x3FAF] =	sst s2  }
0xb: {  	[smem:$0x3FB0] =	sst s3  }
0xc: {  	[smem:$0x3FB1] =	sst s4  }
0xd: {  	[smem:$0x3FB2] =	sst s5  }
0xe: {  	[smem:$0x3FB3] =	sst s6  }
0xf: {  	[smem:$0x3FB4] =	sst s7  }
0x10: {  	[smem:$0x3FB5] =	sst s8  }
0x11: {  	[smem:$0x3FB6] =	sst s9;
	s0 =	simm.s32 @!p0 $0x0  }
0x12: {  	s1 =	sld [smem:$0x3F9C];
	s0 =	simm.s32 @p0 $0x1  }
0x13: {  	[smem:$0x3FB7] =	sst s0;
	s0 =	simm.s32 @!p1 $0x0  }
0x14: {  	s2 =	sld [smem:$0x3F9B];
	s0 =	simm.s32 @p1 $0x1  }
0x15: {  	[smem:$0x3FB8] =	sst s0;
	s0 =	simm.s32 @!p2 $0x0  }
0x16: {  	s3 =	sld [smem:$0x3FDB];
	s0 =	simm.s32 @p2 $0x1  }
0x17: {  	s4 =	simm.s32 $0x1BF5;
	[smem:$0x3FBA] =	sst s0  }
0x18: {  	s0 =	sld [smem:$0x3F9D];
	_ =	swait.ge [sflag:s4], $0x0  }
0x19: {  	s7 =	sld [smem:$0x3F9E]  }
0x1a: {  	s8 =	sadd.s32 $0xFFFFE003, lr  }
0x1b: {  	s9 =	sadd.s32 $0xFFFFFEF7, lr;
	s5 =	simm.s32 $0xFFFFFFFF;
	p2 =	slt.u32 s8, $0xFFFFF086  }
0x1c: {  	p1 =	slt.u32 s9, $0xF7A;
	s5 =	simm.s32 @!p2 $0x0  }
0x1d: {  	s5 =	simm.s32 @p1 $0x1;
	p0 =	seq.s32 s7, s2  }
0x1e: {  	s7 =	smul.u32 @!p0 $0xF7A, s2;
	p2 =	seq.s32 @!p0 s5, $0x0  }
0x1f: {  	s9 =	smul.u32 $0xF7A, s1;
	s8 =	simm.s32 @!p0 $0x1BF5;
	p2 =	por !p2, p0  }
0x20: {  	[sflag:s8] =	ssyncset.s32 @!p0 $0xFFFFF086;
	s6 =	sadd.s32 @!p0 s3, s7;
	s7 =	simm.s32 @!p0 $0x108  }
0x21: {  	s3 =	sadd.s32 s3, s9;
	s6 =	sadd.s32 @!p0 $0x88, s6;
	s7 =	simm.s32 @p2 $0x1082  }
0x22: {  	[simem:s7], [sflag:s8] =	dma.local @!p0 [hbm:s6], $0xF7A  }
0x23: {  	s9 =	sor.u32 $0xD0000000, s2;
	s6 =	simm.s32 $0x108;
	_ =	swait.ge @!p0 [sflag:s8], $0x0  }
0x24: {  	s3 =	sadd.s32 $0x88, s3;
	s6 =	simm.s32 @!p1 $0x1082;
	[sflag:s4] =	ssyncset.s32 $0xFFFFF086  }
0x25: {  	[simem:s6], [sflag:s4] =	dma.local [hbm:s3], $0xF7A  }
0x26: {  	[smem:$0x3F9E] =	sst s1;
	(tag) =	ssettag s2;
	_ =	strace s9  }
0x27: {  	s1 =	sld [smem:$0x3FAE]  }
0x28: {  	s2 =	sld [smem:$0x3FAF]  }
0x29: {  	s4 =	sld [smem:$0x3FB1]  }
0x2a: {  	p0 =	seq.s32 s5, $0x0;
	s5 =	sld [smem:$0x3FB2]  }
0x2b: {  	s6 =	sld [smem:$0x3FB3]  }
0x2c: {  	s7 =	sld [smem:$0x3FB4]  }
0x2d: {  	s3 =	simm.s32 $0x108;
	s8 =	sld [smem:$0x3FB5]  }
0x2e: {  	s3 =	simm.s32 @!p0 $0x1082;
	s9 =	sld [smem:$0x3FB6]  }
0x2f: {  	lr =	sadd.s32 s0, s3;
	s0 =	sld [smem:$0x3FAD]  }
0x30: {  	s3 =	sld [smem:$0x3FB0]  }
0x31: {  	[smem:$0x3FB9] =	sst s10  }
0x32: {  	s10 =	sld [smem:$0x3FB7];
	_ =	sdelay $0x3  }
0x33: {  	p0 =	seq.s32 s10, $0x1;
	s10 =	sld [smem:$0x3FB9];
	_ =	sdelay $0x3  }
0x34: {  	[smem:$0x3FB9] =	sst s10  }
0x35: {  	s10 =	sld [smem:$0x3FB8];
	_ =	sdelay $0x3  }
0x36: {  	p1 =	seq.s32 s10, $0x1;
	s10 =	sld [smem:$0x3FB9];
	_ =	sdelay $0x3  }
0x37: {  	[smem:$0x3FB9] =	sst s10  }
0x38: {  	s10 =	sld [smem:$0x3FBA]  }
0x39: {  	_ = 	snop;
	(pc) =	sbr.ind lr, $3  }
0x3a: {  	_ = 	snop  }
0x3b: {  	_ = 	snop  }
0x3c: {  	p2 =	seq.s32 s10, $0x1;
	s10 =	sld [smem:$0x3FB9]  }
0x3d: {  	_ =	shalt  }
0x3e: {  	_ =	shalt  }
0x3f: {  	_ =	shalt  }
0x40: {  	_ =	shalt  }
0x41: {  	_ =	shalt  }
0x42: {  	_ =	shalt  }
0x43: {  	_ =	shalt  }
0x44: {  	_ =	shalt  }
0x45: {  	_ =	shalt  }
0x46: {  	_ =	shalt  }
0x47: {  	_ =	shalt  }
0x48: {  	_ =	shalt  }
0x49: {  	_ =	shalt  }
0x4a: {  	_ =	shalt  }
0x4b: {  	_ =	shalt  }
0x4c: {  	_ =	shalt  }
0x4d: {  	_ =	shalt  }
0x4e: {  	_ =	shalt  }
0x4f: {  	_ =	shalt  }
0x50: {  	_ =	shalt  }
0x51: {  	_ =	shalt  }
0x52: {  	_ =	shalt  }
0x53: {  	_ =	shalt  }
0x54: {  	_ =	shalt  }
0x55: {  	_ =	shalt  }
0x56: {  	_ =	shalt  }
0x57: {  	_ =	shalt  }
0x58: {  	_ =	shalt  }
0x59: {  	_ =	shalt  }
0x5a: {  	_ =	shalt  }
0x5b: {  	_ =	shalt  }
0x5c: {  	_ =	shalt  }
0x5d: {  	_ =	shalt  }
0x5e: {  	_ =	shalt  }
0x5f: {  	_ =	shalt  }
0x60: {  	_ =	shalt  }
0x61: {  	_ =	shalt  }
0x62: {  	_ =	shalt  }
0x63: {  	_ =	shalt  }
0x64: {  	_ =	shalt  }
0x65: {  	_ =	shalt  }
0x66: {  	_ =	shalt  }
0x67: {  	_ =	shalt  }
0x68: {  	_ =	shalt  }
0x69: {  	_ =	shalt  }
0x6a: {  	_ =	shalt  }
0x6b: {  	_ =	shalt  }
0x6c: {  	_ =	shalt  }
0x6d: {  	_ =	shalt  }
0x6e: {  	_ =	shalt  }
0x6f: {  	_ =	shalt  }
0x70: {  	_ =	shalt  }
0x71: {  	_ =	shalt  }
0x72: {  	_ =	shalt  }
0x73: {  	_ =	shalt  }
0x74: {  	_ =	shalt  }
0x75: {  	_ =	shalt  }
0x76: {  	_ =	shalt  }
0x77: {  	_ =	shalt  }
0x78: {  	_ =	shalt  }
0x79: {  	_ =	shalt  }
0x7a: {  	_ =	shalt  }
0x7b: {  	_ =	shalt  }
0x7c: {  	_ =	shalt  }
0x7d: {  	_ =	shalt  }
0x7e: {  	_ =	shalt  }
0x7f: {  	_ =	shalt  }
0x80: {  	_ =	shalt  }
0x81: {  	_ =	shalt  }
0x82: {  	_ =	shalt  }
0x83: {  	_ =	shalt  }
0x84: {  	_ =	shalt  }
0x85: {  	_ =	shalt  }
0x86: {  	_ =	shalt  }
0x87: {  	_ =	shalt  }
.Lfunc_end0:
.L_simem_size_0:
called_computation_lowered:
.L_overlay_start_0:
0x88: {  	s2 =	sld [smem:$0x3FD9]  }
0x89: {  	s3 =	sld [smem:$0x3FFE];
	_ =	sdelay $0x1  }
0x8a: {  	s1 =	srdreg.scid  }
0x8b: {  	s0 =	sand.u32 $0x1, s1  }
0x8c: {  	s17 =	sshll.u32 s0, $0xA;
	s2 =	sadd.s32 s3, s2  }
0x8d: {  	s2 =	sadd.s32 s2, s17  }
0x8e: {  	[smem:$0x3FC5] =	sst s2  }
0x8f: {  	_ = 	snop  }
0x90: {  	s2 =	sld [smem:$0x3FC8]  }
0x91: {  	s18 =	sld [smem:$0x3FC7]  }
0x92: {  	s4 =	sld [smem:$0x3FD0];
	(tm) =	ssettm $0x1  }
0x93: {  	s5 =	sld [smem:$0x3FFB];
	_ =	sdelay $0x3  }
0x94: {  	_ =	strace s5  }
0x95: {  	s5 =	sld [smem:$0x3FFC];
	_ =	sdelay $0x3  }
0x96: {  	_ =	strace s5  }
0x97: {  	s5 =	sld [smem:$0x3FFD];
	_ =	sdelay $0x3  }
0x98: {  	_ =	strace s5  }
0x99: {  	_ =	strace $0x8FFFFFFF  }
0x9a: {  	s19 =	sld [smem:$0x3FDB];
	_ =	sdelay $0x1  }
0x9b: {  	s6 =	simm.s32 $_scs_section_size  }
0x9c: {  	s7 =	simm.s32 $_size__tile_overlayer_lowered;
	s8 =	simm.s32 $_tile_overlayer_lowered  }
0x9d: {  	s22 =	simm.s32 $0x1BFF;
	s21 =	sshll.u32 s8, $0x1;
	s5 =	sadd.s32 s6, s19  }
0x9e: {  	s9 =	simm.s32 $0x0;
	s20 =	sshll.u32 s7, $0x1;
	s7 =	sadd.s32 s21, s5  }
0x9f: {  	[timem:s9], [sflag:s22] =	dma.local [hbm:s7], s20  }
0xa0: {  	_ =	swait.ge [sflag:s22], s20  }
0xa1: {  	s6 =	ssub.s32 $0x0, s20;
	[sflag:s22] =	ssyncset.done $0x0  }
0xa2: {  	[sflag:s22] =	ssyncadd.s32 s6;
	_ =	sdelay $0x1  }
0xa3: {  	s23 =	simm.s32 $0x1B8B  }
0xa4: {  	_ =	swait.ge [sflag:s23], $0x1  }
0xa5: {  	[sflag:s23] =	ssyncset.done $0x0  }
0xa6: {  	s25 =	simm.s32 $0x1B8E;
	s24 =	sld [smem:$0x3FFE];
	[sflag:s23] =	ssyncadd.s32 $0xFFFFFFFF  }
0xa7: {  	s26 =	simm.s32 $execute0_lowered;
	[smem:$0x3FD2] =	sst s25  }
0xa8: {  	s7 =	sshll.u32 s26, $0x1;
	_ =	strace $0x80000046;
	[dreg:$0x1] =	wrdreg $0xFFFFFFFF  }
0xa9: {  	s28 =	simm.s32 $_size_execute0_lowered;
	s5 =	sadd.s32 s5, s7;
	[dreg:$0x0] =	wrdreg $0x0  }
0xaa: {  	s7 =	sshll.u32 s28, $0x1;
	[dreg:$0x2] =	wrdreg s5  }
0xab: {  	[dreg:$0x3] =	wrdreg s7  }
0xac: {  	[dreg:$0x4] =	wrdreg $0xC0  }
0xad: {  	_ =	task [dreg:s9], $0x5FFFF  }
0xae: {  	[dreg:$0x1] =	wrdreg $0xFFFFFFFF  }
0xaf: {  	[dreg:$0x0] =	wrdreg $0x60  }
0xb0: {  	[dreg:$0x2] =	wrdreg s4  }
0xb1: {  	[dreg:$0x3] =	wrdreg s24  }
0xb2: {  	[dreg:$0x4] =	wrdreg s2  }
0xb3: {  	[dreg:$0x5] =	wrdreg s18  }
0xb4: {  	[dreg:$0x6] =	wrdreg $0x9  }
0xb5: {  	_ =	task.clear_ibuf [dreg:s9], $0x7FFFF;
	_ =	strace $0x90000046  }
0xb6: {  	s29 =	simm.s32 $0x9;
	_ =	strace $0x80000048  }
0xb7: {  	_ =	swait.ge [sflag:s29], $0x1  }
0xb8: {  	[sflag:s29] =	ssyncadd.s32 $0xFFFFFFFF  }
0xb9: {  	_ =	strace $0x90000048  }
0xba: {  	_ =	sfence  }
0xbb: {  	s30 =	sld [smem:$0x0];
	_ =	sdelay $0x2  }
0xbc: {  	s31 =	sshll.u32 s1, $0xD;
	s1 =	sshrl.u32 s1, $0x2  }
0xbd: {  	s3 =	sand.u32 $0x4000, s31;
	s1 =	sadd.s32 s1, s30  }
0xbe: {  	s0 =	sor.u32 s3, s0;
	s1 =	sshll.u32 s1, $0x11  }
0xbf: {  	s0 =	sor.u32 s1, s0  }
0xc0: {  	s0 =	sadd.s32 $0x8F2B, s0  }
0xc1: {  	[sflag:s0] =	ssyncadd.remote.s32 $0x1  }
0xc2: {  	_ =	sfence.sel $0xFFFF  }
0xc3: {  	[dreg:$0x0] =	wrdreg $0xFFFFFFFF;
	(pc) =	sbr.abs _section_cstart, $3  }
0xc4: {  	[dreg:$0x1] =	wrdreg $0xFFFFFFFF  }
0xc5: {  	_ =	task.clear_ibuf [dreg:s9], $0x2FFFF;
	_ =	strace $0x9FFFFFFF  }
0xc6: {  	(tm) =	ssettm $0x7FFFFFFF  }
0xc7: {  	_ =	shalt  }
tec
execute0_lowered:
.L_overlay_start_1:
0x0: {  	(tag) =	ssettag $0x1  }
0x1: {  	s0 =	rddreg [dreg:$0x0]  }
0x2: {  	s2 =	rddreg [dreg:$0x1]  }
0x3: {  	s9 =	rddreg [dreg:$0x2]  }
0x4: {  	s1 =	srdreg.scid;
	s10 =	rddreg [dreg:$0x3];
	s4 =	simm.s32 $0x0  }
0x5: {  	s14 =	simm.s32 $0x400;
	s15 =	simm.s32 $0x1;
	s16 =	simm.s32 $0x1C700  }
0x6: {  	s17 =	simm.s32 $0x1A700;
	s18 =	simm.s32 $0x0;
	s5 =	sand.u32 $0x1, s1  }
0x7: {  	s1 =	stileid.u32;
	[smem:$0x7FF] =	sst s4;
	s3 =	sshll.u32 s5, $0x4  }
0x8: {  	s8 =	sshll.u32 s1, $0x8;
	s5 =	ssub.s32 $0x2, s5;
	s6 =	sor.u32 s1, s3  }
0x9: {  	s3 =	rddreg [dreg:$0x4];
	_ =	strace $0x80000047;
	s7 =	sshrl.u32 s6, $0x2  }
0xa: {  	s11 =	sshrl.u32 s5, $0x1;
	s6 =	sshll.u32 s6, $0xA;
	s7 =	smul.u32 $0xC3800, s7  }
0xb: {  	s8 =	sand.u32 $0x300, s8;
	s13 =	ssub.s32 s5, s11;
	s12 =	sadd.s32 s6, s2  }
0xc: {  	s6 =	sadd.s32 $0x400, s0;
	s11 =	sadd.s32 $0x800, s12;
	s7 =	sor.u32 s8, s7  }
0xd: {  	s12 =	smax.u32 s13, $0x1;
	s13 =	simm.s32 $0x80;
	s7 =	sshrl.u32 s7, $0x3  }
0xe: {  	s8 =	sadd.s32 $0x400, s2;
	s5 =	sadd.s32 s9, s7;
	s31 =	sor.u32 $0x10, s7  }
0xf: {  	s7 =	sadd.s32 s10, s7;
	s9 =	sadd.s32 s9, s31;
	s10 =	sadd.s32 s10, s31  }
.LBB2_1:
0x10: {  	[tilespmem:s4], [sflag:$0x1] =	stream.strided.gather [hbm4b:s5+s13], $0x18700, s14, s13, $0x38;
	[tilespmem:$0x1E700] =	vst v63  }
0x11: {  	_ =	swait.ge [sflag:s15], $0x18700  }
0x12: {  	[sflag:s15] =	ssyncset.done $0x0  }
0x13: {  	[sflag:s15] =	ssyncadd.s32 $0xFFFE7900  }
0x14: {  	[tilespmem:s16], [sflag:$0x1] =	stream.linear.gather [hbm4b:s0+s4], $0x2000, $0x38;
	[tilespmem:$0x1E700] =	vst v63  }
0x15: {  	s19 =	simm.s32 $0xFFFFFFFC;
	_ =	swait.ge [sflag:s15], $0x2000  }
0x16: {  	p0 =	por $0x0, $0x0;
	s20 =	simm.s32 $0x1C740;
	[sflag:s15] =	ssyncset.done $0x0  }
0x17: {  	s21 =	simm.s32 $0x0;
	s22 =	simm.s32 $0x0;
	[sflag:s15] =	ssyncadd.s32 $0xFFFFE000  }
.LBB2_2:
0x18: {  	v0 =	vld [tilespmem:s20+$0xFFFFFFC0]  }
0x19: {  	v1 =	vld [tilespmem:s20+$0xFFFFFFD0];
	_ =	sdelay $0x6  }
0x1a: {  	v0 =	vld.idx.msk [tilespmem:v0+s4+$0x0], $0xffff  }
0x1b: {  	v1 =	vld.idx.msk [tilespmem:v1+s4+$0x0], $0xffff;
	_ =	sdelay $0x3  }
0x1c: {  	s23 =	sand.u32 $0x1F00, s22  }
0x1d: {  	s23 =	sshrl.u32 s23, $0x1;
	v0 =	vpack.i.f32.bf16 v1, v0  }
0x1e: {  	[tilespmem:s23+$0x18700] =	vst v0  }
0x1f: {  	v0 =	vld [tilespmem:s20+$0xFFFFFFE0]  }
0x20: {  	v61 =	vld [tilespmem:s20+$0xFFFFFFF0];
	_ =	sdelay $0x6  }
0x21: {  	v0 =	vld.idx.msk [tilespmem:v0+s4+$0x0], $0xffff  }
0x22: {  	v1 =	vld.idx.msk [tilespmem:v61+s4+$0x0], $0xffff;
	_ =	sdelay $0x4  }
0x23: {  	s23 =	sadd.s32 $0x18700, s23;
	v0 =	vpack.i.f32.bf16 v1, v0  }
0x24: {  	[tilespmem:s23+$0x20] =	vst v0  }
0x25: {  	v0 =	vld [tilespmem:s20+$0x0]  }
0x26: {  	v62 =	vld [tilespmem:s20+$0x10];
	_ =	sdelay $0x6  }
0x27: {  	v0 =	vld.idx.msk [tilespmem:v0+s4+$0x0], $0xffff  }
0x28: {  	v1 =	vld.idx.msk [tilespmem:v62+s4+$0x0], $0xffff  }
0x29: {  	s23 =	simm.s32 $0x1  }
0x2a: {  	s23 =	simm.s32 @!p0 $0x0  }
0x2b: {  	s23 =	sadd.s32 s23, s22  }
0x2c: {  	s24 =	sor.u32 $0x80, s23  }
0x2d: {  	s24 =	sshra.s32 s24, $0x1;
	v0 =	vpack.i.f32.bf16 v1, v0  }
0x2e: {  	[tilespmem:s24+$0x18700] =	vst v0  }
0x2f: {  	v0 =	vld [tilespmem:s20+$0x20]  }
0x30: {  	v63 =	vld [tilespmem:s20+$0x30];
	_ =	sdelay $0x6  }
0x31: {  	v0 =	vld.idx.msk [tilespmem:v0+s4+$0x0], $0xffff  }
0x32: {  	s19 =	sadd.s32 $0x4, s19;
	v1 =	vld.idx.msk [tilespmem:v63+s4+$0x0], $0xffff  }
0x33: {  	p1 =	slt.u32 s19, $0xFC  }
.Ltmp0:
0x34: {  	_ = 	snop;
	(pc) =	sbr.rel @p1 .LBB2_2-.Ltmp0, $4  }
0x35: {  	_ = 	snop  }
0x36: {  	s23 =	sor.u32 $0xC0, s23  }
0x37: {  	s21 =	sadd.s32 $0x1, s21;
	s23 =	sshra.s32 s23, $0x1;
	v0 =	vpack.i.f32.bf16 v1, v0  }
0x38: {  	p0 =	por !p0, !p0;
	s22 =	sadd.s32 $0x80, s22;
	s20 =	sadd.s32 $0x80, s20;
	[tilespmem:s23+$0x18700] =	vst v0  }
0x39: {  	s19 =	simm.s32 $0x0  }
0x3a: {  	[tilespmem:s16], [sflag:$0x1] =	stream.linear.gather [hbm4b:s6+s19], $0x2000, $0x38;
	[tilespmem:$0x1E700] =	vst v63  }
0x3b: {  	_ =	swait.ge [sflag:s15], $0x2000  }
0x3c: {  	s20 =	simm.s32 $0xFFFFFFFC;
	[sflag:s15] =	ssyncset.done $0x0  }
0x3d: {  	s21 =	simm.s32 $0x1C740;
	s22 =	simm.s32 $0x0;
	[sflag:s15] =	ssyncadd.s32 $0xFFFFE000  }
.LBB2_4:
0x3e: {  	v0 =	vld [tilespmem:s21+$0xFFFFFFC0]  }
0x3f: {  	v1 =	vld [tilespmem:s21+$0xFFFFFFD0];
	_ =	sdelay $0x6  }
0x40: {  	v0 =	vld.idx.msk [tilespmem:v0+s4+$0x0], $0xffff  }
0x41: {  	v1 =	vld.idx.msk [tilespmem:v1+s4+$0x0], $0xffff;
	_ =	sdelay $0x3  }
0x42: {  	s23 =	sshrl.u32 s22, $0x1  }
0x43: {  	s23 =	sand.u32 $0xF80, s23;
	v0 =	vpack.i.f32.bf16 v1, v0  }
0x44: {  	[tilespmem:s23+$0x19700] =	vst v0  }
0x45: {  	v0 =	vld [tilespmem:s21+$0xFFFFFFE0]  }
0x46: {  	v61 =	vld [tilespmem:s21+$0xFFFFFFF0];
	_ =	sdelay $0x6  }
0x47: {  	v0 =	vld.idx.msk [tilespmem:v0+s4+$0x0], $0xffff  }
0x48: {  	v1 =	vld.idx.msk [tilespmem:v61+s4+$0x0], $0xffff;
	_ =	sdelay $0x4  }
0x49: {  	s23 =	sadd.s32 $0x18700, s23;
	v0 =	vpack.i.f32.bf16 v1, v0  }
0x4a: {  	[tilespmem:s23+$0x1020] =	vst v0  }
0x4b: {  	v0 =	vld [tilespmem:s21+$0x0]  }
0x4c: {  	v62 =	vld [tilespmem:s21+$0x10];
	_ =	sdelay $0x6  }
0x4d: {  	v0 =	vld.idx.msk [tilespmem:v0+s4+$0x0], $0xffff  }
0x4e: {  	v1 =	vld.idx.msk [tilespmem:v62+s4+$0x0], $0xffff;
	_ =	sdelay $0x4  }
0x4f: {  	v0 =	vpack.i.f32.bf16 v1, v0  }
0x50: {  	[tilespmem:s23+$0x1040] =	vst v0  }
0x51: {  	v0 =	vld [tilespmem:s21+$0x20]  }
0x52: {  	v63 =	vld [tilespmem:s21+$0x30];
	_ =	sdelay $0x6  }
0x53: {  	v0 =	vld.idx.msk [tilespmem:v0+s4+$0x0], $0xffff  }
0x54: {  	s20 =	sadd.s32 $0x4, s20;
	v1 =	vld.idx.msk [tilespmem:v63+s4+$0x0], $0xffff  }
0x55: {  	p0 =	slt.u32 s20, $0xFC  }
.Ltmp1:
0x56: {  	_ = 	snop;
	(pc) =	sbr.rel @p0 .LBB2_4-.Ltmp1, $3  }
0x57: {  	_ =	sdelay $0x1  }
0x58: {  	v0 =	vpack.i.f32.bf16 v1, v0  }
0x59: {  	s22 =	sadd.s32 $0x80, s22;
	s19 =	sadd.s32 $0x1, s19;
	s21 =	sadd.s32 $0x80, s21;
	[tilespmem:s23+$0x1060] =	vst v0  }
0x5a: {  	s19 =	simm.s32 $0x0  }
0x5b: {  	[tilespmem:s19], [sflag:$0x1] =	stream.strided.gather [hbm4b:s7+s13], $0x18700, s14, s13, $0x38;
	[tilespmem:$0x1E700] =	vst v63  }
0x5c: {  	_ =	swait.ge [sflag:s15], $0x18700  }
0x5d: {  	[sflag:s15] =	ssyncset.done $0x0  }
0x5e: {  	[sflag:s15] =	ssyncadd.s32 $0xFFFE7900  }
0x5f: {  	[tilespmem:s16], [sflag:$0x1] =	stream.linear.gather [hbm4b:s2+s19], $0x2000, $0x38;
	[tilespmem:$0x1E700] =	vst v63  }
0x60: {  	_ =	swait.ge [sflag:s15], $0x2000  }
0x61: {  	s20 =	simm.s32 $0xFFFFFFFC;
	p0 =	por $0x0, $0x0;
	[sflag:s15] =	ssyncset.done $0x0  }
0x62: {  	s21 =	simm.s32 $0x1C740;
	s22 =	simm.s32 $0x0;
	[sflag:s15] =	ssyncadd.s32 $0xFFFFE000  }
.LBB2_6:
0x63: {  	v0 =	vld [tilespmem:s21+$0xFFFFFFC0]  }
0x64: {  	v1 =	vld [tilespmem:s21+$0xFFFFFFD0];
	_ =	sdelay $0x3  }
0x65: {  	s23 =	sand.u32 $0x1F00, s22  }
0x66: {  	s24 =	sshrl.u32 s23, $0x1  }
0x67: {  	v2 =	vld [tilespmem:s24+$0x18700]  }
0x68: {  	v0 =	vld.idx.msk [tilespmem:v0+s4+$0x0], $0xffff  }
0x69: {  	v1 =	vld.idx.msk [tilespmem:v1+s4+$0x0], $0xffff;
	_ =	sdelay $0x3  }
0x6a: {  	v3 =	vunpack.i.u.bf16.f32 v2;
	v2 =	vunpack.i.l.bf16.f32 v2  }
0x6b: {  	v0 =	vmul.f32 v2, v0;
	v1 =	vmul.f32 v3, v1;
	_ =	sdelay $0x1  }
0x6c: {  	v0 =	vpack.i.f32.bf16 v1, v0  }
0x6d: {  	[tilespmem:s24+$0x1A700] =	vst v0  }
0x6e: {  	v0 =	vld [tilespmem:s21+$0xFFFFFFE0]  }
0x6f: {  	v55 =	vld [tilespmem:s21+$0xFFFFFFF0];
	_ =	sdelay $0x3  }
0x70: {  	s23 =	sor.u32 $0x40, s23  }
0x71: {  	s23 =	sshrl.u32 s23, $0x1  }
0x72: {  	v56 =	vld [tilespmem:s23+$0x18700]  }
0x73: {  	v0 =	vld.idx.msk [tilespmem:v0+s4+$0x0], $0xffff  }
0x74: {  	v1 =	vld.idx.msk [tilespmem:v55+s4+$0x0], $0xffff;
	_ =	sdelay $0x3  }
0x75: {  	v57 =	vunpack.i.u.bf16.f32 v56;
	v2 =	vunpack.i.l.bf16.f32 v56  }
0x76: {  	v0 =	vmul.f32 v2, v0;
	v1 =	vmul.f32 v57, v1;
	_ =	sdelay $0x1  }
0x77: {  	v0 =	vpack.i.f32.bf16 v1, v0  }
0x78: {  	[tilespmem:s23+$0x1A700] =	vst v0  }
0x79: {  	v0 =	vld [tilespmem:s21+$0x0]  }
0x7a: {  	v58 =	vld [tilespmem:s21+$0x10]  }
0x7b: {  	s23 =	simm.s32 $0x1  }
0x7c: {  	s23 =	simm.s32 @!p0 $0x0  }
0x7d: {  	s23 =	sadd.s32 s23, s22  }
0x7e: {  	s31 =	sor.u32 $0x80, s23  }
0x7f: {  	s24 =	sshra.s32 s31, $0x1  }
0x80: {  	v59 =	vld [tilespmem:s24+$0x18700]  }
0x81: {  	v0 =	vld.idx.msk [tilespmem:v0+s4+$0x0], $0xffff  }
0x82: {  	v1 =	vld.idx.msk [tilespmem:v58+s4+$0x0], $0xffff;
	_ =	sdelay $0x3  }
0x83: {  	v60 =	vunpack.i.u.bf16.f32 v59;
	v2 =	vunpack.i.l.bf16.f32 v59  }
0x84: {  	v0 =	vmul.f32 v2, v0;
	v1 =	vmul.f32 v60, v1;
	_ =	sdelay $0x1  }
0x85: {  	v0 =	vpack.i.f32.bf16 v1, v0  }
0x86: {  	[tilespmem:s24+$0x1A700] =	vst v0  }
0x87: {  	v0 =	vld [tilespmem:s21+$0x20]  }
0x88: {  	v61 =	vld [tilespmem:s21+$0x30];
	_ =	sdelay $0x3  }
0x89: {  	s23 =	sor.u32 $0xC0, s23  }
0x8a: {  	s23 =	sshra.s32 s23, $0x1  }
0x8b: {  	v62 =	vld [tilespmem:s23+$0x18700]  }
0x8c: {  	v0 =	vld.idx.msk [tilespmem:v0+s4+$0x0], $0xffff  }
0x8d: {  	v1 =	vld.idx.msk [tilespmem:v61+s4+$0x0], $0xffff;
	_ =	sdelay $0x1  }
0x8e: {  	s20 =	sadd.s32 $0x4, s20  }
0x8f: {  	p1 =	slt.u32 s20, $0xFC  }
.Ltmp2:
0x90: {  	v63 =	vunpack.i.u.bf16.f32 v62;
	v2 =	vunpack.i.l.bf16.f32 v62;
	(pc) =	sbr.rel @p1 .LBB2_6-.Ltmp2, $3  }
0x91: {  	v0 =	vmul.f32 v2, v0;
	v1 =	vmul.f32 v63, v1;
	_ =	sdelay $0x1  }
0x92: {  	s19 =	sadd.s32 $0x1, s19;
	v0 =	vpack.i.f32.bf16 v1, v0  }
0x93: {  	p0 =	por !p0, !p0;
	s22 =	sadd.s32 $0x80, s22;
	s21 =	sadd.s32 $0x80, s21;
	[tilespmem:s23+$0x1A700] =	vst v0  }
0x94: {  	s19 =	simm.s32 $0x0  }
0x95: {  	[tilespmem:s16], [sflag:$0x1] =	stream.linear.gather [hbm4b:s8+s19], $0x2000, $0x38;
	[tilespmem:$0x1E700] =	vst v63  }
0x96: {  	_ =	swait.ge [sflag:s15], $0x2000  }
0x97: {  	s20 =	simm.s32 $0xFFFFFFFC;
	p0 =	por $0x0, $0x0;
	[sflag:s15] =	ssyncset.done $0x0  }
0x98: {  	s21 =	simm.s32 $0x1C740;
	s22 =	simm.s32 $0x0;
	[sflag:s15] =	ssyncadd.s32 $0xFFFFE000  }
.LBB2_8:
0x99: {  	v0 =	vld [tilespmem:s21+$0xFFFFFFC0]  }
0x9a: {  	v1 =	vld [tilespmem:s21+$0xFFFFFFD0];
	_ =	sdelay $0x2  }
0x9b: {  	s23 =	sand.u32 $0x1F00, s22  }
0x9c: {  	s24 =	sor.u32 $0x2000, s23  }
0x9d: {  	s24 =	sshrl.u32 s24, $0x1  }
0x9e: {  	v2 =	vld [tilespmem:s24+$0x18700]  }
0x9f: {  	v0 =	vld.idx.msk [tilespmem:v0+s4+$0x0], $0xffff  }
0xa0: {  	v1 =	vld.idx.msk [tilespmem:v1+s4+$0x0], $0xffff;
	_ =	sdelay $0x3  }
0xa1: {  	v3 =	vunpack.i.u.bf16.f32 v2;
	v2 =	vunpack.i.l.bf16.f32 v2  }
0xa2: {  	v0 =	vmul.f32 v2, v0;
	v1 =	vmul.f32 v3, v1;
	_ =	sdelay $0x1  }
0xa3: {  	v0 =	vpack.i.f32.bf16 v1, v0  }
0xa4: {  	[tilespmem:s24+$0x1A700] =	vst v0  }
0xa5: {  	v0 =	vld [tilespmem:s21+$0xFFFFFFE0]  }
0xa6: {  	v55 =	vld [tilespmem:s21+$0xFFFFFFF0];
	_ =	sdelay $0x3  }
0xa7: {  	s23 =	sor.u32 $0x2040, s23  }
0xa8: {  	s23 =	sshrl.u32 s23, $0x1  }
0xa9: {  	v56 =	vld [tilespmem:s23+$0x18700]  }
0xaa: {  	v0 =	vld.idx.msk [tilespmem:v0+s4+$0x0], $0xffff  }
0xab: {  	v1 =	vld.idx.msk [tilespmem:v55+s4+$0x0], $0xffff;
	_ =	sdelay $0x3  }
0xac: {  	v57 =	vunpack.i.u.bf16.f32 v56;
	v2 =	vunpack.i.l.bf16.f32 v56  }
0xad: {  	v0 =	vmul.f32 v2, v0;
	v1 =	vmul.f32 v57, v1;
	_ =	sdelay $0x1  }
0xae: {  	v0 =	vpack.i.f32.bf16 v1, v0  }
0xaf: {  	[tilespmem:s23+$0x1A700] =	vst v0  }
0xb0: {  	v0 =	vld [tilespmem:s21+$0x0]  }
0xb1: {  	v58 =	vld [tilespmem:s21+$0x10]  }
0xb2: {  	s23 =	simm.s32 $0x1  }
0xb3: {  	s23 =	simm.s32 @!p0 $0x0  }
0xb4: {  	s23 =	sadd.s32 s23, s22  }
0xb5: {  	s31 =	sor.u32 $0x2080, s23  }
0xb6: {  	s24 =	sshra.s32 s31, $0x1  }
0xb7: {  	v59 =	vld [tilespmem:s24+$0x18700]  }
0xb8: {  	v0 =	vld.idx.msk [tilespmem:v0+s4+$0x0], $0xffff  }
0xb9: {  	v1 =	vld.idx.msk [tilespmem:v58+s4+$0x0], $0xffff;
	_ =	sdelay $0x3  }
0xba: {  	v60 =	vunpack.i.u.bf16.f32 v59;
	v2 =	vunpack.i.l.bf16.f32 v59  }
0xbb: {  	v0 =	vmul.f32 v2, v0;
	v1 =	vmul.f32 v60, v1;
	_ =	sdelay $0x1  }
0xbc: {  	v0 =	vpack.i.f32.bf16 v1, v0  }
0xbd: {  	[tilespmem:s24+$0x1A700] =	vst v0  }
0xbe: {  	v0 =	vld [tilespmem:s21+$0x20]  }
0xbf: {  	v61 =	vld [tilespmem:s21+$0x30];
	_ =	sdelay $0x3  }
0xc0: {  	s23 =	sor.u32 $0x20C0, s23  }
0xc1: {  	s23 =	sshra.s32 s23, $0x1  }
0xc2: {  	v62 =	vld [tilespmem:s23+$0x18700]  }
0xc3: {  	v0 =	vld.idx.msk [tilespmem:v0+s4+$0x0], $0xffff  }
0xc4: {  	v1 =	vld.idx.msk [tilespmem:v61+s4+$0x0], $0xffff;
	_ =	sdelay $0x1  }
0xc5: {  	s20 =	sadd.s32 $0x4, s20  }
0xc6: {  	p1 =	slt.u32 s20, $0xFC  }
.Ltmp3:
0xc7: {  	v63 =	vunpack.i.u.bf16.f32 v62;
	v2 =	vunpack.i.l.bf16.f32 v62;
	(pc) =	sbr.rel @p1 .LBB2_8-.Ltmp3, $3  }
0xc8: {  	v0 =	vmul.f32 v2, v0;
	v1 =	vmul.f32 v63, v1;
	_ =	sdelay $0x1  }
0xc9: {  	s19 =	sadd.s32 $0x1, s19;
	v0 =	vpack.i.f32.bf16 v1, v0  }
0xca: {  	p0 =	por !p0, !p0;
	s22 =	sadd.s32 $0x80, s22;
	s21 =	sadd.s32 $0x80, s21;
	[tilespmem:s23+$0x1A700] =	vst v0  }
0xcb: {  	s19 =	simm.s32 $0x0  }
0xcc: {  	[tilespmem:s19], [sflag:$0x1] =	stream.strided.gather [hbm4b:s9+s13], $0x18700, s14, s13, $0x38;
	[tilespmem:$0x1E700] =	vst v63  }
0xcd: {  	_ =	swait.ge [sflag:s15], $0x18700  }
0xce: {  	[sflag:s15] =	ssyncset.done $0x0  }
0xcf: {  	[sflag:s15] =	ssyncadd.s32 $0xFFFE7900  }
0xd0: {  	[tilespmem:s16], [sflag:$0x1] =	stream.linear.gather [hbm4b:s0+s19], $0x2000, $0x38;
	[tilespmem:$0x1E700] =	vst v63  }
0xd1: {  	_ =	swait.ge [sflag:s15], $0x2000  }
0xd2: {  	s20 =	simm.s32 $0xFFFFFFFC;
	p0 =	por $0x0, $0x0;
	[sflag:s15] =	ssyncset.done $0x0  }
0xd3: {  	s21 =	simm.s32 $0x1C740;
	s22 =	simm.s32 $0x0;
	[sflag:s15] =	ssyncadd.s32 $0xFFFFE000  }
.LBB2_10:
0xd4: {  	v0 =	vld [tilespmem:s21+$0xFFFFFFC0]  }
0xd5: {  	v1 =	vld [tilespmem:s21+$0xFFFFFFD0];
	_ =	sdelay $0x6  }
0xd6: {  	v0 =	vld.idx.msk [tilespmem:v0+s4+$0x0], $0xffff  }
0xd7: {  	v1 =	vld.idx.msk [tilespmem:v1+s4+$0x0], $0xffff;
	_ =	sdelay $0x3  }
0xd8: {  	s23 =	sand.u32 $0x1F00, s22  }
0xd9: {  	s23 =	sshrl.u32 s23, $0x1;
	v0 =	vpack.i.f32.bf16 v1, v0  }
0xda: {  	[tilespmem:s23+$0x18700] =	vst v0  }
0xdb: {  	v0 =	vld [tilespmem:s21+$0xFFFFFFE0]  }
0xdc: {  	v61 =	vld [tilespmem:s21+$0xFFFFFFF0];
	_ =	sdelay $0x6  }
0xdd: {  	v0 =	vld.idx.msk [tilespmem:v0+s4+$0x0], $0xffff  }
0xde: {  	v1 =	vld.idx.msk [tilespmem:v61+s4+$0x0], $0xffff;
	_ =	sdelay $0x4  }
0xdf: {  	s23 =	sadd.s32 $0x18700, s23;
	v0 =	vpack.i.f32.bf16 v1, v0  }
0xe0: {  	[tilespmem:s23+$0x20] =	vst v0  }
0xe1: {  	v0 =	vld [tilespmem:s21+$0x0]  }
0xe2: {  	v62 =	vld [tilespmem:s21+$0x10];
	_ =	sdelay $0x6  }
0xe3: {  	v0 =	vld.idx.msk [tilespmem:v0+s4+$0x0], $0xffff  }
0xe4: {  	v1 =	vld.idx.msk [tilespmem:v62+s4+$0x0], $0xffff  }
0xe5: {  	s23 =	simm.s32 $0x1  }
0xe6: {  	s23 =	simm.s32 @!p0 $0x0  }
0xe7: {  	s23 =	sadd.s32 s23, s22  }
0xe8: {  	s24 =	sor.u32 $0x80, s23  }
0xe9: {  	s24 =	sshra.s32 s24, $0x1;
	v0 =	vpack.i.f32.bf16 v1, v0  }
0xea: {  	[tilespmem:s24+$0x18700] =	vst v0  }
0xeb: {  	v0 =	vld [tilespmem:s21+$0x20]  }
0xec: {  	v63 =	vld [tilespmem:s21+$0x30];
	_ =	sdelay $0x6  }
0xed: {  	v0 =	vld.idx.msk [tilespmem:v0+s4+$0x0], $0xffff  }
0xee: {  	s20 =	sadd.s32 $0x4, s20;
	v1 =	vld.idx.msk [tilespmem:v63+s4+$0x0], $0xffff  }
0xef: {  	p1 =	slt.u32 s20, $0xFC  }
.Ltmp4:
0xf0: {  	_ = 	snop;
	(pc) =	sbr.rel @p1 .LBB2_10-.Ltmp4, $4  }
0xf1: {  	_ = 	snop  }
0xf2: {  	s23 =	sor.u32 $0xC0, s23  }
0xf3: {  	s19 =	sadd.s32 $0x1, s19;
	s23 =	sshra.s32 s23, $0x1;
	v0 =	vpack.i.f32.bf16 v1, v0  }
0xf4: {  	p0 =	por !p0, !p0;
	s22 =	sadd.s32 $0x80, s22;
	s21 =	sadd.s32 $0x80, s21;
	[tilespmem:s23+$0x18700] =	vst v0  }
0xf5: {  	s19 =	simm.s32 $0x0  }
0xf6: {  	[tilespmem:s16], [sflag:$0x1] =	stream.linear.gather [hbm4b:s6+s19], $0x2000, $0x38;
	[tilespmem:$0x1E700] =	vst v63  }
0xf7: {  	_ =	swait.ge [sflag:s15], $0x2000  }
0xf8: {  	s20 =	simm.s32 $0xFFFFFFFC;
	[sflag:s15] =	ssyncset.done $0x0  }
0xf9: {  	s21 =	simm.s32 $0x1C740;
	s22 =	simm.s32 $0x0;
	[sflag:s15] =	ssyncadd.s32 $0xFFFFE000  }
.LBB2_12:
0xfa: {  	v0 =	vld [tilespmem:s21+$0xFFFFFFC0]  }
0xfb: {  	v1 =	vld [tilespmem:s21+$0xFFFFFFD0];
	_ =	sdelay $0x6  }
0xfc: {  	v0 =	vld.idx.msk [tilespmem:v0+s4+$0x0], $0xffff  }
0xfd: {  	v1 =	vld.idx.msk [tilespmem:v1+s4+$0x0], $0xffff;
	_ =	sdelay $0x3  }
0xfe: {  	s23 =	sshrl.u32 s22, $0x1  }
0xff: {  	s23 =	sand.u32 $0xF80, s23;
	v0 =	vpack.i.f32.bf16 v1, v0  }
0x100: {  	[tilespmem:s23+$0x19700] =	vst v0  }
0x101: {  	v0 =	vld [tilespmem:s21+$0xFFFFFFE0]  }
0x102: {  	v61 =	vld [tilespmem:s21+$0xFFFFFFF0];
	_ =	sdelay $0x6  }
0x103: {  	v0 =	vld.idx.msk [tilespmem:v0+s4+$0x0], $0xffff  }
0x104: {  	v1 =	vld.idx.msk [tilespmem:v61+s4+$0x0], $0xffff;
	_ =	sdelay $0x4  }
0x105: {  	s23 =	sadd.s32 $0x18700, s23;
	v0 =	vpack.i.f32.bf16 v1, v0  }
0x106: {  	[tilespmem:s23+$0x1020] =	vst v0  }
0x107: {  	v0 =	vld [tilespmem:s21+$0x0]  }
0x108: {  	v62 =	vld [tilespmem:s21+$0x10];
	_ =	sdelay $0x6  }
0x109: {  	v0 =	vld.idx.msk [tilespmem:v0+s4+$0x0], $0xffff  }
0x10a: {  	v1 =	vld.idx.msk [tilespmem:v62+s4+$0x0], $0xffff;
	_ =	sdelay $0x4  }
0x10b: {  	v0 =	vpack.i.f32.bf16 v1, v0  }
0x10c: {  	[tilespmem:s23+$0x1040] =	vst v0  }
0x10d: {  	v0 =	vld [tilespmem:s21+$0x20]  }
0x10e: {  	v63 =	vld [tilespmem:s21+$0x30];
	_ =	sdelay $0x6  }
0x10f: {  	v0 =	vld.idx.msk [tilespmem:v0+s4+$0x0], $0xffff  }
0x110: {  	s20 =	sadd.s32 $0x4, s20;
	v1 =	vld.idx.msk [tilespmem:v63+s4+$0x0], $0xffff  }
0x111: {  	p0 =	slt.u32 s20, $0xFC  }
.Ltmp5:
0x112: {  	_ = 	snop;
	(pc) =	sbr.rel @p0 .LBB2_12-.Ltmp5, $3  }
0x113: {  	_ =	sdelay $0x1  }
0x114: {  	v0 =	vpack.i.f32.bf16 v1, v0  }
0x115: {  	s22 =	sadd.s32 $0x80, s22;
	s19 =	sadd.s32 $0x1, s19;
	s21 =	sadd.s32 $0x80, s21;
	[tilespmem:s23+$0x1060] =	vst v0  }
0x116: {  	s19 =	simm.s32 $0x0  }
0x117: {  	[tilespmem:s19], [sflag:$0x1] =	stream.strided.gather [hbm4b:s10+s13], $0x18700, s14, s13, $0x38;
	[tilespmem:$0x1E700] =	vst v63  }
0x118: {  	_ =	swait.ge [sflag:s15], $0x18700  }
0x119: {  	[sflag:s15] =	ssyncset.done $0x0  }
0x11a: {  	[sflag:s15] =	ssyncadd.s32 $0xFFFE7900  }
0x11b: {  	[tilespmem:s16], [sflag:$0x1] =	stream.linear.gather [hbm4b:s2+s19], $0x2000, $0x38;
	[tilespmem:$0x1E700] =	vst v63  }
0x11c: {  	_ =	swait.ge [sflag:s15], $0x2000  }
0x11d: {  	s20 =	simm.s32 $0xFFFFFFFC;
	p0 =	por $0x0, $0x0;
	[sflag:s15] =	ssyncset.done $0x0  }
0x11e: {  	s21 =	simm.s32 $0x1C740;
	s22 =	simm.s32 $0x0;
	[sflag:s15] =	ssyncadd.s32 $0xFFFFE000  }
.LBB2_14:
0x11f: {  	v0 =	vld [tilespmem:s21+$0xFFFFFFC0]  }
0x120: {  	v1 =	vld [tilespmem:s21+$0xFFFFFFD0];
	_ =	sdelay $0x3  }
0x121: {  	s23 =	sand.u32 $0x1F00, s22  }
0x122: {  	s24 =	sshrl.u32 s23, $0x1  }
0x123: {  	v2 =	vld [tilespmem:s24+$0x18700]  }
0x124: {  	v0 =	vld.idx.msk [tilespmem:v0+s4+$0x0], $0xffff  }
0x125: {  	v1 =	vld.idx.msk [tilespmem:v1+s4+$0x0], $0xffff  }
0x126: {  	v3 =	vld [tilespmem:s24+$0x1A700];
	_ =	sdelay $0x2  }
0x127: {  	v4 =	vunpack.i.u.bf16.f32 v2;
	v2 =	vunpack.i.l.bf16.f32 v2  }
0x128: {  	v0 =	vmul.f32 v2, v0;
	v1 =	vmul.f32 v4, v1  }
0x129: {  	v48 =	vunpack.i.u.bf16.f32 v3;
	v3 =	vunpack.i.l.bf16.f32 v3  }
0x12a: {  	v0 =	vadd.f32 v3, v0;
	v1 =	vadd.f32 v48, v1;
	_ =	sdelay $0x1  }
0x12b: {  	v0 =	vpack.i.f32.bf16 v1, v0  }
0x12c: {  	[tilespmem:s24+$0x1A700] =	vst v0  }
0x12d: {  	v0 =	vld [tilespmem:s21+$0xFFFFFFE0]  }
0x12e: {  	v49 =	vld [tilespmem:s21+$0xFFFFFFF0];
	_ =	sdelay $0x3  }
0x12f: {  	s23 =	sor.u32 $0x40, s23  }
0x130: {  	s23 =	sshrl.u32 s23, $0x1  }
0x131: {  	v50 =	vld [tilespmem:s23+$0x18700]  }
0x132: {  	v0 =	vld.idx.msk [tilespmem:v0+s4+$0x0], $0xffff  }
0x133: {  	v1 =	vld.idx.msk [tilespmem:v49+s4+$0x0], $0xffff  }
0x134: {  	v51 =	vld [tilespmem:s23+$0x1A700];
	_ =	sdelay $0x2  }
0x135: {  	v52 =	vunpack.i.u.bf16.f32 v50;
	v2 =	vunpack.i.l.bf16.f32 v50  }
0x136: {  	v0 =	vmul.f32 v2, v0;
	v1 =	vmul.f32 v52, v1  }
0x137: {  	v53 =	vunpack.i.u.bf16.f32 v51;
	v3 =	vunpack.i.l.bf16.f32 v51  }
0x138: {  	v0 =	vadd.f32 v3, v0;
	v1 =	vadd.f32 v53, v1;
	_ =	sdelay $0x1  }
0x139: {  	v0 =	vpack.i.f32.bf16 v1, v0  }
0x13a: {  	[tilespmem:s23+$0x1A700] =	vst v0  }
0x13b: {  	v0 =	vld [tilespmem:s21+$0x0]  }
0x13c: {  	v54 =	vld [tilespmem:s21+$0x10]  }
0x13d: {  	s23 =	simm.s32 $0x1  }
0x13e: {  	s23 =	simm.s32 @!p0 $0x0  }
0x13f: {  	s23 =	sadd.s32 s23, s22  }
0x140: {  	s31 =	sor.u32 $0x80, s23  }
0x141: {  	s24 =	sshra.s32 s31, $0x1  }
0x142: {  	v55 =	vld [tilespmem:s24+$0x18700]  }
0x143: {  	v0 =	vld.idx.msk [tilespmem:v0+s4+$0x0], $0xffff  }
0x144: {  	v1 =	vld.idx.msk [tilespmem:v54+s4+$0x0], $0xffff  }
0x145: {  	v56 =	vld [tilespmem:s24+$0x1A700];
	_ =	sdelay $0x2  }
0x146: {  	v57 =	vunpack.i.u.bf16.f32 v55;
	v2 =	vunpack.i.l.bf16.f32 v55  }
0x147: {  	v0 =	vmul.f32 v2, v0;
	v1 =	vmul.f32 v57, v1  }
0x148: {  	v58 =	vunpack.i.u.bf16.f32 v56;
	v3 =	vunpack.i.l.bf16.f32 v56  }
0x149: {  	v0 =	vadd.f32 v3, v0;
	v1 =	vadd.f32 v58, v1;
	_ =	sdelay $0x1  }
0x14a: {  	v0 =	vpack.i.f32.bf16 v1, v0  }
0x14b: {  	[tilespmem:s24+$0x1A700] =	vst v0  }
0x14c: {  	v0 =	vld [tilespmem:s21+$0x20]  }
0x14d: {  	v59 =	vld [tilespmem:s21+$0x30];
	_ =	sdelay $0x3  }
0x14e: {  	s23 =	sor.u32 $0xC0, s23  }
0x14f: {  	s23 =	sshra.s32 s23, $0x1  }
0x150: {  	v60 =	vld [tilespmem:s23+$0x18700]  }
0x151: {  	v0 =	vld.idx.msk [tilespmem:v0+s4+$0x0], $0xffff  }
0x152: {  	v1 =	vld.idx.msk [tilespmem:v59+s4+$0x0], $0xffff  }
0x153: {  	v61 =	vld [tilespmem:s23+$0x1A700];
	_ =	sdelay $0x2  }
0x154: {  	s20 =	sadd.s32 $0x4, s20;
	v62 =	vunpack.i.u.bf16.f32 v60;
	v2 =	vunpack.i.l.bf16.f32 v60  }
0x155: {  	p1 =	slt.u32 s20, $0xFC;
	v0 =	vmul.f32 v2, v0;
	v1 =	vmul.f32 v62, v1  }
.Ltmp6:
0x156: {  	v63 =	vunpack.i.u.bf16.f32 v61;
	v3 =	vunpack.i.l.bf16.f32 v61;
	(pc) =	sbr.rel @p1 .LBB2_14-.Ltmp6, $3  }
0x157: {  	v0 =	vadd.f32 v3, v0;
	v1 =	vadd.f32 v63, v1;
	_ =	sdelay $0x1  }
0x158: {  	s19 =	sadd.s32 $0x1, s19;
	v0 =	vpack.i.f32.bf16 v1, v0  }
0x159: {  	p0 =	por !p0, !p0;
	s22 =	sadd.s32 $0x80, s22;
	s21 =	sadd.s32 $0x80, s21;
	[tilespmem:s23+$0x1A700] =	vst v0  }
0x15a: {  	s19 =	simm.s32 $0x0  }
0x15b: {  	[tilespmem:s16], [sflag:$0x1] =	stream.linear.gather [hbm4b:s8+s19], $0x2000, $0x38;
	[tilespmem:$0x1E700] =	vst v63  }
0x15c: {  	_ =	swait.ge [sflag:s15], $0x2000  }
0x15d: {  	s20 =	simm.s32 $0xFFFFFFFC;
	p0 =	por $0x0, $0x0;
	[sflag:s15] =	ssyncset.done $0x0  }
0x15e: {  	s21 =	simm.s32 $0x1C740;
	s22 =	simm.s32 $0x0;
	[sflag:s15] =	ssyncadd.s32 $0xFFFFE000  }
.LBB2_16:
0x15f: {  	v0 =	vld [tilespmem:s21+$0xFFFFFFC0]  }
0x160: {  	v1 =	vld [tilespmem:s21+$0xFFFFFFD0];
	_ =	sdelay $0x2  }
0x161: {  	s23 =	sand.u32 $0x1F00, s22  }
0x162: {  	s24 =	sor.u32 $0x2000, s23  }
0x163: {  	s24 =	sshrl.u32 s24, $0x1  }
0x164: {  	v2 =	vld [tilespmem:s24+$0x18700]  }
0x165: {  	v0 =	vld.idx.msk [tilespmem:v0+s4+$0x0], $0xffff  }
0x166: {  	v1 =	vld.idx.msk [tilespmem:v1+s4+$0x0], $0xffff  }
0x167: {  	v3 =	vld [tilespmem:s24+$0x1A700];
	_ =	sdelay $0x2  }
0x168: {  	v4 =	vunpack.i.u.bf16.f32 v2;
	v2 =	vunpack.i.l.bf16.f32 v2  }
0x169: {  	v0 =	vmul.f32 v2, v0;
	v1 =	vmul.f32 v4, v1  }
0x16a: {  	v48 =	vunpack.i.u.bf16.f32 v3;
	v3 =	vunpack.i.l.bf16.f32 v3  }
0x16b: {  	v0 =	vadd.f32 v3, v0;
	v1 =	vadd.f32 v48, v1;
	_ =	sdelay $0x1  }
0x16c: {  	v0 =	vpack.i.f32.bf16 v1, v0  }
0x16d: {  	[tilespmem:s24+$0x1A700] =	vst v0  }
0x16e: {  	v0 =	vld [tilespmem:s21+$0xFFFFFFE0]  }
0x16f: {  	v49 =	vld [tilespmem:s21+$0xFFFFFFF0];
	_ =	sdelay $0x3  }
0x170: {  	s23 =	sor.u32 $0x2040, s23  }
0x171: {  	s23 =	sshrl.u32 s23, $0x1  }
0x172: {  	v50 =	vld [tilespmem:s23+$0x18700]  }
0x173: {  	v0 =	vld.idx.msk [tilespmem:v0+s4+$0x0], $0xffff  }
0x174: {  	v1 =	vld.idx.msk [tilespmem:v49+s4+$0x0], $0xffff  }
0x175: {  	v51 =	vld [tilespmem:s23+$0x1A700];
	_ =	sdelay $0x2  }
0x176: {  	v52 =	vunpack.i.u.bf16.f32 v50;
	v2 =	vunpack.i.l.bf16.f32 v50  }
0x177: {  	v0 =	vmul.f32 v2, v0;
	v1 =	vmul.f32 v52, v1  }
0x178: {  	v53 =	vunpack.i.u.bf16.f32 v51;
	v3 =	vunpack.i.l.bf16.f32 v51  }
0x179: {  	v0 =	vadd.f32 v3, v0;
	v1 =	vadd.f32 v53, v1;
	_ =	sdelay $0x1  }
0x17a: {  	v0 =	vpack.i.f32.bf16 v1, v0  }
0x17b: {  	[tilespmem:s23+$0x1A700] =	vst v0  }
0x17c: {  	v0 =	vld [tilespmem:s21+$0x0]  }
0x17d: {  	v54 =	vld [tilespmem:s21+$0x10]  }
0x17e: {  	s23 =	simm.s32 $0x1  }
0x17f: {  	s23 =	simm.s32 @!p0 $0x0  }
0x180: {  	s23 =	sadd.s32 s23, s22  }
0x181: {  	s31 =	sor.u32 $0x2080, s23  }
0x182: {  	s24 =	sshra.s32 s31, $0x1  }
0x183: {  	v55 =	vld [tilespmem:s24+$0x18700]  }
0x184: {  	v0 =	vld.idx.msk [tilespmem:v0+s4+$0x0], $0xffff  }
0x185: {  	v1 =	vld.idx.msk [tilespmem:v54+s4+$0x0], $0xffff  }
0x186: {  	v56 =	vld [tilespmem:s24+$0x1A700];
	_ =	sdelay $0x2  }
0x187: {  	v57 =	vunpack.i.u.bf16.f32 v55;
	v2 =	vunpack.i.l.bf16.f32 v55  }
0x188: {  	v0 =	vmul.f32 v2, v0;
	v1 =	vmul.f32 v57, v1  }
0x189: {  	v58 =	vunpack.i.u.bf16.f32 v56;
	v3 =	vunpack.i.l.bf16.f32 v56  }
0x18a: {  	v0 =	vadd.f32 v3, v0;
	v1 =	vadd.f32 v58, v1;
	_ =	sdelay $0x1  }
0x18b: {  	v0 =	vpack.i.f32.bf16 v1, v0  }
0x18c: {  	[tilespmem:s24+$0x1A700] =	vst v0  }
0x18d: {  	v0 =	vld [tilespmem:s21+$0x20]  }
0x18e: {  	v59 =	vld [tilespmem:s21+$0x30];
	_ =	sdelay $0x3  }
0x18f: {  	s23 =	sor.u32 $0x20C0, s23  }
0x190: {  	s23 =	sshra.s32 s23, $0x1  }
0x191: {  	v60 =	vld [tilespmem:s23+$0x18700]  }
0x192: {  	v0 =	vld.idx.msk [tilespmem:v0+s4+$0x0], $0xffff  }
0x193: {  	v1 =	vld.idx.msk [tilespmem:v59+s4+$0x0], $0xffff  }
0x194: {  	v61 =	vld [tilespmem:s23+$0x1A700];
	_ =	sdelay $0x2  }
0x195: {  	s20 =	sadd.s32 $0x4, s20;
	v62 =	vunpack.i.u.bf16.f32 v60;
	v2 =	vunpack.i.l.bf16.f32 v60  }
0x196: {  	p1 =	slt.u32 s20, $0xFC;
	v0 =	vmul.f32 v2, v0;
	v1 =	vmul.f32 v62, v1  }
.Ltmp7:
0x197: {  	v63 =	vunpack.i.u.bf16.f32 v61;
	v3 =	vunpack.i.l.bf16.f32 v61;
	(pc) =	sbr.rel @p1 .LBB2_16-.Ltmp7, $3  }
0x198: {  	v0 =	vadd.f32 v3, v0;
	v1 =	vadd.f32 v63, v1;
	_ =	sdelay $0x1  }
0x199: {  	s19 =	sadd.s32 $0x1, s19;
	v0 =	vpack.i.f32.bf16 v1, v0  }
0x19a: {  	p0 =	por !p0, !p0;
	s22 =	sadd.s32 $0x80, s22;
	s21 =	sadd.s32 $0x80, s21;
	[tilespmem:s23+$0x1A700] =	vst v0  }
0x19b: {  	s18 =	sadd.s32 $0x1, s18  }
0x19c: {  	p0 =	sne.s32 s18, s12  }
.Ltmp8:
0x19d: {  	_ = 	snop;
	(pc) =	sbr.rel @p0 .LBB2_1-.Ltmp8, $4  }
0x19e: {  	[hbm4b:s11+s4] =	stream.linear.scatter [tilespmem:s17], [sflag:$0x1], $0x2000, $0x38;
	[tilespmem:$0x1E700] =	vst v63  }
0x19f: {  	_ =	swait.ge [sflag:s15], $0x2000  }
0x1a0: {  	[sflag:s15] =	ssyncset.done $0x0  }
0x1a1: {  	[sflag:s15] =	ssyncadd.s32 $0xFFFFE000  }
0x1a2: {  	_ =	sfence.sel $0x180000  }
0x1a3: {  	[bflag:$0x0] =	sbarrier.arrive $0xFFFF  }
0x1a4: {  	p0 =	sne.s32 s1, $0x0;
	_ =	strace $0x90000047  }
0x1a5: {  	s0 =	sadd.s32 @!p0 $0x100000, s3;
	[bflag:$0x2] =	sbarrier.arrive $0xFFFF  }
0x1a6: {  	[sflag:s0] =	ssyncadd.tile.s32 @!p0 $0x1;
	_ =	shalt  }
.Lfunc_end2:
_tile_overlayer_lowered:
.L_overlay_start_2:
0x1a7: {  	(tag) =	ssettag $0x2  }
0x1a8: {  	s0 =	rddreg [dreg:$0x0];
	s2 =	stileid.u32  }
0x1a9: {  	s1 =	rddreg [dreg:$0x1];
	p0 =	sne.s32 s2, $0x0  }
0x1aa: {  	s3 =	rddreg [dreg:$0x2];
	[bflag:$0x3] =	sbarrier.arrive $0xFFFF;
	s2 =	simm.s32 @!p0 $0x1C01  }
0x1ab: {  	[timem:s3], [sflag:s2] =	dma.local @!p0 [hbm:s0], s1  }
0x1ac: {  	s0 =	simm.s32 @!p0 $0x1  }
0x1ad: {  	_ =	swait.ge @!p0 [sflag:s0], s1  }
0x1ae: {  	s1 =	ssub.s32 @!p0 $0x0, s1;
	[sflag:s0] =	ssyncset.done @!p0 $0x0  }
0x1af: {  	[sflag:s0] =	ssyncadd.s32 @!p0 s1  }
0x1b0: {  	[bflag:$0x3] =	sbarrier.arrive $0xFFFF  }
0x1b1: {  	_ =	shalt  }

</sc_bundles>
